<compile_context>
chip_gen: v7x
topology: tpu7x:2x2x1
jax: 0.10.2.dev20260603
libtpu: 0.0.44.dev20260713+nightly
codegen_flags: <defaults>
</compile_context>

<pallas_src>
import functools

import jax
import jax.numpy as jnp
from jax import lax
from jax.experimental import pallas as pl
from jax.experimental.pallas import tpu as pltpu
from jax.experimental.pallas import tpu_sc as plsc

_NC = 2
_NS = 16
_NW = _NC * _NS


def _proj_body(x_ref, w_ref, b_ref, o_ref):
    o_ref[...] = lax.dot_general(
        x_ref[...], w_ref[...],
        dimension_numbers=(((1,), (1,)), ((), ())),
        preferred_element_type=jnp.float32,
    ) + b_ref[...]


@functools.lru_cache(maxsize=None)
def _make_project(v, d, bm):
    grid = (pl.cdiv(v, bm),)
    return pl.pallas_call(
        _proj_body,
        grid=grid,
        in_specs=[
            pl.BlockSpec((bm, d), lambda i: (i, 0)),
            pl.BlockSpec((d, d), lambda i: (0, 0)),
            pl.BlockSpec((1, d), lambda i: (0, 0)),
        ],
        out_specs=pl.BlockSpec((bm, d), lambda i: (i, 0)),
        out_shape=jax.ShapeDtypeStruct((v, d), jnp.float32),
    )


@functools.lru_cache(maxsize=None)
def _make_gather(b_total, d, ch):
    b_per_w = b_total // _NW
    n_ch = b_per_w // ch
    mesh = plsc.VectorSubcoreMesh(core_axis_name="c", subcore_axis_name="s")

    nbuf = 4
    assert n_ch % nbuf == 0

    @functools.partial(
        pl.kernel,
        mesh=mesh,
        out_type=jax.ShapeDtypeStruct((b_total, d), jnp.float32),
        scratch_types=[
            pltpu.VMEM((b_per_w,), jnp.int32),
        ] + [pltpu.VMEM((ch, d), jnp.float32)] * nbuf
          + [pltpu.SemaphoreType.DMA] * (2 * nbuf),
    )
    def gather_kernel(table_hbm, idx_hbm, out_hbm, idx_all, *bufs):
        rows = bufs[:nbuf]
        gsem = bufs[nbuf:2 * nbuf]
        wsem = bufs[2 * nbuf:]
        wid = lax.axis_index("s") * _NC + lax.axis_index("c")
        base = wid * b_per_w
        pltpu.sync_copy(idx_hbm.at[pl.ds(base, b_per_w)], idx_all)

        def g_start(slot, i):
            pltpu.async_copy(
                table_hbm.at[idx_all.at[pl.ds(i * ch, ch)]],
                rows[slot], gsem[slot])

        def g_wait(slot):
            pltpu.make_async_copy(table_hbm.at[pl.ds(0, ch)], rows[slot],
                                  gsem[slot]).wait()

        def w_start(slot, i):
            pltpu.async_copy(rows[slot], out_hbm.at[pl.ds(base + i * ch, ch)],
                             wsem[slot])

        def w_wait(slot):
            pltpu.make_async_copy(rows[slot], out_hbm.at[pl.ds(base, ch)],
                                  wsem[slot]).wait()

        for slot in range(nbuf):
            g_start(slot, slot)

        def outer(g, carry):
            for slot in range(nbuf):
                i = nbuf * g + slot
                g_wait(slot)
                w_start(slot, i)

                @pl.when(i + nbuf < n_ch)
                def _():
                    w_wait(slot)
                    g_start(slot, i + nbuf)
            return carry

        lax.fori_loop(0, n_ch // nbuf, outer, 0)
        for slot in range(nbuf):
            w_wait(slot)

    return gather_kernel


def kernel(input_ids, emb_table, W, b):
    v, d = emb_table.shape
    n_seq, seq = input_ids.shape
    idx_t = input_ids.astype(jnp.int32).T.reshape(-1)
    proj = _make_project(v, d, 1024)(emb_table, W, b.reshape(1, d))
    flat = _make_gather(seq * n_seq, d, 40)(proj, idx_t)
    return flat.reshape(seq, n_seq, d).transpose(1, 0, 2)

# --- scband reference (transcript-rebuilt; emitter-appended) ---
"""Pipeline reference for scband-my-model-61933428416584 (READ-ONLY COPY).

The authoritative reference and input builder live on the scoring server;
editing this copy changes nothing except your own understanding.
"""

import jax, jax.numpy as jnp
import numpy as np

VOCAB = 30522
HID = 512

def setup_inputs(seed: int = 0) -> dict:
    key = jax.random.key(seed)
    k1, k2, k3, k4 = jax.random.split(key, 4)
    input_ids = jax.random.randint(k1, (16384, 20), 0, VOCAB, dtype=jnp.int64 if jax.config.jax_enable_x64 else jnp.int32)
    emb_table = jax.random.normal(k2, (VOCAB, HID), dtype=jnp.float32)
    W = jax.random.normal(k3, (HID, HID), dtype=jnp.float32) * (1.0 / np.sqrt(HID))
    b = jax.random.normal(k4, (HID,), dtype=jnp.float32) * 0.01
    return {"input_ids": input_ids, "emb_table": emb_table, "W": W, "b": b}

def reference(input_ids, emb_table, W, b):
    # nn.Embedding lookup -> gather
    x = jnp.take(emb_table, input_ids, axis=0)
    # nn.Linear: x @ W^T + b
    x = jnp.dot(x, W.T) + b
    return x

if __name__ == "__main__":
    import jax
    _d = setup_inputs()
    print(jax.jit(kernel)(*tuple(_d.values())))

</pallas_src>

<mosaic_0001>
#map = affine_map<(d0, d1) -> (0, 0)>
#map1 = affine_map<(d0, d1) -> (0)>
module attributes {stable_mosaic.version = 14 : i64} {
  func.func @gather_kernel(%arg0: i32, %arg1: i32, %arg2: memref<30522x512xf32, #tpu.memory_space<hbm>>, %arg3: memref<327680xi32, #tpu.memory_space<hbm>>, %arg4: memref<327680x512xf32, #tpu.memory_space<hbm>>, %arg5: memref<10240xi32, #tpu.memory_space<vmem>>, %arg6: memref<40x512xf32, #tpu.memory_space<vmem>>, %arg7: memref<40x512xf32, #tpu.memory_space<vmem>>, %arg8: memref<40x512xf32, #tpu.memory_space<vmem>>, %arg9: memref<40x512xf32, #tpu.memory_space<vmem>>, %arg10: memref<!tpu.dma_semaphore, #tpu.memory_space<semaphore_mem>>, %arg11: memref<!tpu.dma_semaphore, #tpu.memory_space<semaphore_mem>>, %arg12: memref<!tpu.dma_semaphore, #tpu.memory_space<semaphore_mem>>, %arg13: memref<!tpu.dma_semaphore, #tpu.memory_space<semaphore_mem>>, %arg14: memref<!tpu.dma_semaphore, #tpu.memory_space<semaphore_mem>>, %arg15: memref<!tpu.dma_semaphore, #tpu.memory_space<semaphore_mem>>, %arg16: memref<!tpu.dma_semaphore, #tpu.memory_space<semaphore_mem>>, %arg17: memref<!tpu.dma_semaphore, #tpu.memory_space<semaphore_mem>>) attributes {dimension_semantics = [#tpu.dimension_semantics<core_parallel>, #tpu.dimension_semantics<subcore_parallel>], iteration_bounds = array<i64: 2, 16>, scalar_prefetch = 0 : i64, scratch_operands = 13 : i64, tpu.core_type = #tpu.core_type<sc_vector_subcore>, window_params = [{transform_indices = #map}, {transform_indices = #map1}, {transform_indices = #map}]} {
    %mul3A = arith.constant 2 : i32
    %mul3A_0 = arith.muli %arg1, %mul3A : i32
    %add3A = arith.addi %mul3A_0, %arg0 : i32
    %mul3A_1 = arith.constant 10240 : i32
    %mul3A_2 = arith.muli %add3A, %mul3A_1 : i32
    "tpu.region"() ({
      %run_scoped3A = tpu.sem_alloc : memref<!tpu.dma_semaphore, #tpu.memory_space<semaphore_mem>>
      %dma_start3A_42 = tpu.memref_slice %arg3[%mul3A_2] : memref<327680xi32, #tpu.memory_space<hbm>> -> memref<10240xi32, #tpu.memory_space<hbm>>
      %dma_start3A_43 = tpu.memref_slice %arg3[%mul3A_2] : memref<327680xi32, #tpu.memory_space<hbm>> -> memref<10240xi32, #tpu.memory_space<hbm>>
      tpu.enqueue_dma source(%dma_start3A_43 : memref<10240xi32, #tpu.memory_space<hbm>>) target(%arg5 : memref<10240xi32, #tpu.memory_space<vmem>>) target_semaphore(%run_scoped3A : memref<!tpu.dma_semaphore, #tpu.memory_space<semaphore_mem>>)
      %dma_wait3A_44 = tpu.memref_slice %arg3[%mul3A_2] : memref<327680xi32, #tpu.memory_space<hbm>> -> memref<10240xi32, #tpu.memory_space<hbm>>
      %dma_wait3A_45 = tpu.memref_slice %arg3[%mul3A_2] : memref<327680xi32, #tpu.memory_space<hbm>> -> memref<10240xi32, #tpu.memory_space<hbm>>
      tpu.wait_dma2 semaphore(%run_scoped3A : memref<!tpu.dma_semaphore, #tpu.memory_space<semaphore_mem>>) src(%dma_wait3A_45 : memref<10240xi32, #tpu.memory_space<hbm>>) dst(%arg5 : memref<10240xi32, #tpu.memory_space<vmem>>)
      tpu.yield
    }) : () -> ()
    %dma_start3A = arith.constant 0 : i32
    %dma_start3A_3 = tpu.memref_slice %arg5[%dma_start3A] : memref<10240xi32, #tpu.memory_space<vmem>> -> memref<40xi32, #tpu.memory_space<vmem>>
    %dma_start3A_4 = arith.constant 0 : i32
    %dma_start3A_5 = arith.constant 0 : i32
    %dma_start3A_6 = tpu.memref_slice %arg2[%dma_start3A_4, %dma_start3A_5] : memref<30522x512xf32, #tpu.memory_space<hbm>> -> memref<30522x512xf32, #tpu.memory_space<hbm>>
    tpu.enqueue_indirect_dma source(%dma_start3A_6 : memref<30522x512xf32, #tpu.memory_space<hbm>>) target(%arg6 : memref<40x512xf32, #tpu.memory_space<vmem>>) offsets(%dma_start3A_3 : memref<40xi32, #tpu.memory_space<vmem>>) semaphore(%arg10 : memref<!tpu.dma_semaphore, #tpu.memory_space<semaphore_mem>>)
    %dma_start3A_7 = arith.constant 40 : i32
    %dma_start3A_8 = tpu.memref_slice %arg5[%dma_start3A_7] : memref<10240xi32, #tpu.memory_space<vmem>> -> memref<40xi32, #tpu.memory_space<vmem>>
    %dma_start3A_9 = arith.constant 0 : i32
    %dma_start3A_10 = arith.constant 0 : i32
    %dma_start3A_11 = tpu.memref_slice %arg2[%dma_start3A_9, %dma_start3A_10] : memref<30522x512xf32, #tpu.memory_space<hbm>> -> memref<30522x512xf32, #tpu.memory_space<hbm>>
    tpu.enqueue_indirect_dma source(%dma_start3A_11 : memref<30522x512xf32, #tpu.memory_space<hbm>>) target(%arg7 : memref<40x512xf32, #tpu.memory_space<vmem>>) offsets(%dma_start3A_8 : memref<40xi32, #tpu.memory_space<vmem>>) semaphore(%arg11 : memref<!tpu.dma_semaphore, #tpu.memory_space<semaphore_mem>>)
    %dma_start3A_12 = arith.constant 80 : i32
    %dma_start3A_13 = tpu.memref_slice %arg5[%dma_start3A_12] : memref<10240xi32, #tpu.memory_space<vmem>> -> memref<40xi32, #tpu.memory_space<vmem>>
    %dma_start3A_14 = arith.constant 0 : i32
    %dma_start3A_15 = arith.constant 0 : i32
    %dma_start3A_16 = tpu.memref_slice %arg2[%dma_start3A_14, %dma_start3A_15] : memref<30522x512xf32, #tpu.memory_space<hbm>> -> memref<30522x512xf32, #tpu.memory_space<hbm>>
    tpu.enqueue_indirect_dma source(%dma_start3A_16 : memref<30522x512xf32, #tpu.memory_space<hbm>>) target(%arg8 : memref<40x512xf32, #tpu.memory_space<vmem>>) offsets(%dma_start3A_13 : memref<40xi32, #tpu.memory_space<vmem>>) semaphore(%arg12 : memref<!tpu.dma_semaphore, #tpu.memory_space<semaphore_mem>>)
    %dma_start3A_17 = arith.constant 120 : i32
    %dma_start3A_18 = tpu.memref_slice %arg5[%dma_start3A_17] : memref<10240xi32, #tpu.memory_space<vmem>> -> memref<40xi32, #tpu.memory_space<vmem>>
    %dma_start3A_19 = arith.constant 0 : i32
    %dma_start3A_20 = arith.constant 0 : i32
    %dma_start3A_21 = tpu.memref_slice %arg2[%dma_start3A_19, %dma_start3A_20] : memref<30522x512xf32, #tpu.memory_space<hbm>> -> memref<30522x512xf32, #tpu.memory_space<hbm>>
    tpu.enqueue_indirect_dma source(%dma_start3A_21 : memref<30522x512xf32, #tpu.memory_space<hbm>>) target(%arg9 : memref<40x512xf32, #tpu.memory_space<vmem>>) offsets(%dma_start3A_18 : memref<40xi32, #tpu.memory_space<vmem>>) semaphore(%arg13 : memref<!tpu.dma_semaphore, #tpu.memory_space<semaphore_mem>>)
    %scan3A = arith.constant 0 : i32
    %scan3A_22 = arith.constant 0 : i32
    %scan3A_23 = arith.constant 64 : i32
    %scan3A_24 = arith.addi %scan3A_22, %scan3A_23 : i32
    %scan3A_25 = arith.constant 1 : i32
    scf.for %scan3A_42 = %scan3A_22 to %scan3A_24 step %scan3A_25  : i32 {
      %mul3A_43 = arith.constant 4 : i32
      %mul3A_44 = arith.muli %mul3A_43, %scan3A_42 : i32
      %add3A_45 = arith.constant 0 : i32
      %add3A_46 = arith.addi %mul3A_44, %add3A_45 : i32
      %dma_wait3A_47 = arith.constant 0 : i32
      %dma_wait3A_48 = arith.constant 0 : i32
      %dma_wait3A_49 = tpu.memref_slice %arg2[%dma_wait3A_47, %dma_wait3A_48] : memref<30522x512xf32, #tpu.memory_space<hbm>> -> memref<40x512xf32, #tpu.memory_space<hbm>>
      %dma_wait3A_50 = arith.constant 0 : i32
      %dma_wait3A_51 = arith.constant 0 : i32
      %dma_wait3A_52 = tpu.memref_slice %arg2[%dma_wait3A_50, %dma_wait3A_51] : memref<30522x512xf32, #tpu.memory_space<hbm>> -> memref<40x512xf32, #tpu.memory_space<hbm>>
      tpu.wait_dma2 semaphore(%arg10 : memref<!tpu.dma_semaphore, #tpu.memory_space<semaphore_mem>>) src(%dma_wait3A_52 : memref<40x512xf32, #tpu.memory_space<hbm>>) dst(%arg6 : memref<40x512xf32, #tpu.memory_space<vmem>>)
      %mul3A_53 = arith.constant 40 : i32
      %mul3A_54 = arith.muli %add3A_46, %mul3A_53 : i32
      %add3A_55 = arith.addi %mul3A_2, %mul3A_54 : i32
      %dma_start3A_56 = arith.constant 0 : i32
      %dma_start3A_57 = tpu.memref_slice %arg4[%add3A_55, %dma_start3A_56] : memref<327680x512xf32, #tpu.memory_space<hbm>> -> memref<40x512xf32, #tpu.memory_space<hbm>>
      %dma_start3A_58 = arith.constant 0 : i32
      %dma_start3A_59 = tpu.memref_slice %arg4[%add3A_55, %dma_start3A_58] : memref<327680x512xf32, #tpu.memory_space<hbm>> -> memref<40x512xf32, #tpu.memory_space<hbm>>
      tpu.enqueue_dma source(%arg6 : memref<40x512xf32, #tpu.memory_space<vmem>>) target(%dma_start3A_59 : memref<40x512xf32, #tpu.memory_space<hbm>>) target_semaphore(%arg14 : memref<!tpu.dma_semaphore, #tpu.memory_space<semaphore_mem>>)
      %add3A_60 = arith.constant 4 : i32
      %add3A_61 = arith.addi %add3A_46, %add3A_60 : i32
      %lt3A = arith.constant 256 : i32
      %lt3A_62 = arith.cmpi slt, %add3A_61, %lt3A : i32
      %convert_element_type3A = arith.extui %lt3A_62 : i1 to i32
      %cond3A = arith.constant 0 : i32
      %cond3A_63 = arith.cmpi ne, %convert_element_type3A, %cond3A : i32
      scf.if %cond3A_63 {
        %dma_wait3A_136 = arith.constant 0 : i32
        %dma_wait3A_137 = tpu.memref_slice %arg4[%mul3A_2, %dma_wait3A_136] : memref<327680x512xf32, #tpu.memory_space<hbm>> -> memref<40x512xf32, #tpu.memory_space<hbm>>
        %dma_wait3A_138 = arith.constant 0 : i32
        %dma_wait3A_139 = tpu.memref_slice %arg4[%mul3A_2, %dma_wait3A_138] : memref<327680x512xf32, #tpu.memory_space<hbm>> -> memref<40x512xf32, #tpu.memory_space<hbm>>
        tpu.wait_dma2 semaphore(%arg14 : memref<!tpu.dma_semaphore, #tpu.memory_space<semaphore_mem>>) src(%arg6 : memref<40x512xf32, #tpu.memory_space<vmem>>) dst(%dma_wait3A_139 : memref<40x512xf32, #tpu.memory_space<hbm>>)
        %add3A_140 = arith.constant 4 : i32
        %add3A_141 = arith.addi %add3A_46, %add3A_140 : i32
        %mul3A_142 = arith.constant 40 : i32
        %mul3A_143 = arith.muli %add3A_141, %mul3A_142 : i32
        %dma_start3A_144 = tpu.memref_slice %arg5[%mul3A_143] : memref<10240xi32, #tpu.memory_space<vmem>> -> memref<40xi32, #tpu.memory_space<vmem>>
        %dma_start3A_145 = arith.constant 0 : i32
        %dma_start3A_146 = arith.constant 0 : i32
        %dma_start3A_147 = tpu.memref_slice %arg2[%dma_start3A_145, %dma_start3A_146] : memref<30522x512xf32, #tpu.memory_space<hbm>> -> memref<30522x512xf32, #tpu.memory_space<hbm>>
        tpu.enqueue_indirect_dma source(%dma_start3A_147 : memref<30522x512xf32, #tpu.memory_space<hbm>>) target(%arg6 : memref<40x512xf32, #tpu.memory_space<vmem>>) offsets(%dma_start3A_144 : memref<40xi32, #tpu.memory_space<vmem>>) semaphore(%arg10 : memref<!tpu.dma_semaphore, #tpu.memory_space<semaphore_mem>>)
      } else {
      }
      %mul3A_64 = arith.constant 4 : i32
      %mul3A_65 = arith.muli %mul3A_64, %scan3A_42 : i32
      %add3A_66 = arith.constant 1 : i32
      %add3A_67 = arith.addi %mul3A_65, %add3A_66 : i32
      %dma_wait3A_68 = arith.constant 0 : i32
      %dma_wait3A_69 = arith.constant 0 : i32
      %dma_wait3A_70 = tpu.memref_slice %arg2[%dma_wait3A_68, %dma_wait3A_69] : memref<30522x512xf32, #tpu.memory_space<hbm>> -> memref<40x512xf32, #tpu.memory_space<hbm>>
      %dma_wait3A_71 = arith.constant 0 : i32
      %dma_wait3A_72 = arith.constant 0 : i32
      %dma_wait3A_73 = tpu.memref_slice %arg2[%dma_wait3A_71, %dma_wait3A_72] : memref<30522x512xf32, #tpu.memory_space<hbm>> -> memref<40x512xf32, #tpu.memory_space<hbm>>
      tpu.wait_dma2 semaphore(%arg11 : memref<!tpu.dma_semaphore, #tpu.memory_space<semaphore_mem>>) src(%dma_wait3A_73 : memref<40x512xf32, #tpu.memory_space<hbm>>) dst(%arg7 : memref<40x512xf32, #tpu.memory_space<vmem>>)
      %mul3A_74 = arith.constant 40 : i32
      %mul3A_75 = arith.muli %add3A_67, %mul3A_74 : i32
      %add3A_76 = arith.addi %mul3A_2, %mul3A_75 : i32
      %dma_start3A_77 = arith.constant 0 : i32
      %dma_start3A_78 = tpu.memref_slice %arg4[%add3A_76, %dma_start3A_77] : memref<327680x512xf32, #tpu.memory_space<hbm>> -> memref<40x512xf32, #tpu.memory_space<hbm>>
      %dma_start3A_79 = arith.constant 0 : i32
      %dma_start3A_80 = tpu.memref_slice %arg4[%add3A_76, %dma_start3A_79] : memref<327680x512xf32, #tpu.memory_space<hbm>> -> memref<40x512xf32, #tpu.memory_space<hbm>>
      tpu.enqueue_dma source(%arg7 : memref<40x512xf32, #tpu.memory_space<vmem>>) target(%dma_start3A_80 : memref<40x512xf32, #tpu.memory_space<hbm>>) target_semaphore(%arg15 : memref<!tpu.dma_semaphore, #tpu.memory_space<semaphore_mem>>)
      %add3A_81 = arith.constant 4 : i32
      %add3A_82 = arith.addi %add3A_67, %add3A_81 : i32
      %lt3A_83 = arith.constant 256 : i32
      %lt3A_84 = arith.cmpi slt, %add3A_82, %lt3A_83 : i32
      %convert_element_type3A_85 = arith.extui %lt3A_84 : i1 to i32
      %cond3A_86 = arith.constant 0 : i32
      %cond3A_87 = arith.cmpi ne, %convert_element_type3A_85, %cond3A_86 : i32
      scf.if %cond3A_87 {
        %dma_wait3A_136 = arith.constant 0 : i32
        %dma_wait3A_137 = tpu.memref_slice %arg4[%mul3A_2, %dma_wait3A_136] : memref<327680x512xf32, #tpu.memory_space<hbm>> -> memref<40x512xf32, #tpu.memory_space<hbm>>
        %dma_wait3A_138 = arith.constant 0 : i32
        %dma_wait3A_139 = tpu.memref_slice %arg4[%mul3A_2, %dma_wait3A_138] : memref<327680x512xf32, #tpu.memory_space<hbm>> -> memref<40x512xf32, #tpu.memory_space<hbm>>
        tpu.wait_dma2 semaphore(%arg15 : memref<!tpu.dma_semaphore, #tpu.memory_space<semaphore_mem>>) src(%arg7 : memref<40x512xf32, #tpu.memory_space<vmem>>) dst(%dma_wait3A_139 : memref<40x512xf32, #tpu.memory_space<hbm>>)
        %add3A_140 = arith.constant 4 : i32
        %add3A_141 = arith.addi %add3A_67, %add3A_140 : i32
        %mul3A_142 = arith.constant 40 : i32
        %mul3A_143 = arith.muli %add3A_141, %mul3A_142 : i32
        %dma_start3A_144 = tpu.memref_slice %arg5[%mul3A_143] : memref<10240xi32, #tpu.memory_space<vmem>> -> memref<40xi32, #tpu.memory_space<vmem>>
        %dma_start3A_145 = arith.constant 0 : i32
        %dma_start3A_146 = arith.constant 0 : i32
        %dma_start3A_147 = tpu.memref_slice %arg2[%dma_start3A_145, %dma_start3A_146] : memref<30522x512xf32, #tpu.memory_space<hbm>> -> memref<30522x512xf32, #tpu.memory_space<hbm>>
        tpu.enqueue_indirect_dma source(%dma_start3A_147 : memref<30522x512xf32, #tpu.memory_space<hbm>>) target(%arg7 : memref<40x512xf32, #tpu.memory_space<vmem>>) offsets(%dma_start3A_144 : memref<40xi32, #tpu.memory_space<vmem>>) semaphore(%arg11 : memref<!tpu.dma_semaphore, #tpu.memory_space<semaphore_mem>>)
      } else {
      }
      %mul3A_88 = arith.constant 4 : i32
      %mul3A_89 = arith.muli %mul3A_88, %scan3A_42 : i32
      %add3A_90 = arith.constant 2 : i32
      %add3A_91 = arith.addi %mul3A_89, %add3A_90 : i32
      %dma_wait3A_92 = arith.constant 0 : i32
      %dma_wait3A_93 = arith.constant 0 : i32
      %dma_wait3A_94 = tpu.memref_slice %arg2[%dma_wait3A_92, %dma_wait3A_93] : memref<30522x512xf32, #tpu.memory_space<hbm>> -> memref<40x512xf32, #tpu.memory_space<hbm>>
      %dma_wait3A_95 = arith.constant 0 : i32
      %dma_wait3A_96 = arith.constant 0 : i32
      %dma_wait3A_97 = tpu.memref_slice %arg2[%dma_wait3A_95, %dma_wait3A_96] : memref<30522x512xf32, #tpu.memory_space<hbm>> -> memref<40x512xf32, #tpu.memory_space<hbm>>
      tpu.wait_dma2 semaphore(%arg12 : memref<!tpu.dma_semaphore, #tpu.memory_space<semaphore_mem>>) src(%dma_wait3A_97 : memref<40x512xf32, #tpu.memory_space<hbm>>) dst(%arg8 : memref<40x512xf32, #tpu.memory_space<vmem>>)
      %mul3A_98 = arith.constant 40 : i32
      %mul3A_99 = arith.muli %add3A_91, %mul3A_98 : i32
      %add3A_100 = arith.addi %mul3A_2, %mul3A_99 : i32
      %dma_start3A_101 = arith.constant 0 : i32
      %dma_start3A_102 = tpu.memref_slice %arg4[%add3A_100, %dma_start3A_101] : memref<327680x512xf32, #tpu.memory_space<hbm>> -> memref<40x512xf32, #tpu.memory_space<hbm>>
      %dma_start3A_103 = arith.constant 0 : i32
      %dma_start3A_104 = tpu.memref_slice %arg4[%add3A_100, %dma_start3A_103] : memref<327680x512xf32, #tpu.memory_space<hbm>> -> memref<40x512xf32, #tpu.memory_space<hbm>>
      tpu.enqueue_dma source(%arg8 : memref<40x512xf32, #tpu.memory_space<vmem>>) target(%dma_start3A_104 : memref<40x512xf32, #tpu.memory_space<hbm>>) target_semaphore(%arg16 : memref<!tpu.dma_semaphore, #tpu.memory_space<semaphore_mem>>)
      %add3A_105 = arith.constant 4 : i32
      %add3A_106 = arith.addi %add3A_91, %add3A_105 : i32
      %lt3A_107 = arith.constant 256 : i32
      %lt3A_108 = arith.cmpi slt, %add3A_106, %lt3A_107 : i32
      %convert_element_type3A_109 = arith.extui %lt3A_108 : i1 to i32
      %cond3A_110 = arith.constant 0 : i32
      %cond3A_111 = arith.cmpi ne, %convert_element_type3A_109, %cond3A_110 : i32
      scf.if %cond3A_111 {
        %dma_wait3A_136 = arith.constant 0 : i32
        %dma_wait3A_137 = tpu.memref_slice %arg4[%mul3A_2, %dma_wait3A_136] : memref<327680x512xf32, #tpu.memory_space<hbm>> -> memref<40x512xf32, #tpu.memory_space<hbm>>
        %dma_wait3A_138 = arith.constant 0 : i32
        %dma_wait3A_139 = tpu.memref_slice %arg4[%mul3A_2, %dma_wait3A_138] : memref<327680x512xf32, #tpu.memory_space<hbm>> -> memref<40x512xf32, #tpu.memory_space<hbm>>
        tpu.wait_dma2 semaphore(%arg16 : memref<!tpu.dma_semaphore, #tpu.memory_space<semaphore_mem>>) src(%arg8 : memref<40x512xf32, #tpu.memory_space<vmem>>) dst(%dma_wait3A_139 : memref<40x512xf32, #tpu.memory_space<hbm>>)
        %add3A_140 = arith.constant 4 : i32
        %add3A_141 = arith.addi %add3A_91, %add3A_140 : i32
        %mul3A_142 = arith.constant 40 : i32
        %mul3A_143 = arith.muli %add3A_141, %mul3A_142 : i32
        %dma_start3A_144 = tpu.memref_slice %arg5[%mul3A_143] : memref<10240xi32, #tpu.memory_space<vmem>> -> memref<40xi32, #tpu.memory_space<vmem>>
        %dma_start3A_145 = arith.constant 0 : i32
        %dma_start3A_146 = arith.constant 0 : i32
        %dma_start3A_147 = tpu.memref_slice %arg2[%dma_start3A_145, %dma_start3A_146] : memref<30522x512xf32, #tpu.memory_space<hbm>> -> memref<30522x512xf32, #tpu.memory_space<hbm>>
        tpu.enqueue_indirect_dma source(%dma_start3A_147 : memref<30522x512xf32, #tpu.memory_space<hbm>>) target(%arg8 : memref<40x512xf32, #tpu.memory_space<vmem>>) offsets(%dma_start3A_144 : memref<40xi32, #tpu.memory_space<vmem>>) semaphore(%arg12 : memref<!tpu.dma_semaphore, #tpu.memory_space<semaphore_mem>>)
      } else {
      }
      %mul3A_112 = arith.constant 4 : i32
      %mul3A_113 = arith.muli %mul3A_112, %scan3A_42 : i32
      %add3A_114 = arith.constant 3 : i32
      %add3A_115 = arith.addi %mul3A_113, %add3A_114 : i32
      %dma_wait3A_116 = arith.constant 0 : i32
      %dma_wait3A_117 = arith.constant 0 : i32
      %dma_wait3A_118 = tpu.memref_slice %arg2[%dma_wait3A_116, %dma_wait3A_117] : memref<30522x512xf32, #tpu.memory_space<hbm>> -> memref<40x512xf32, #tpu.memory_space<hbm>>
      %dma_wait3A_119 = arith.constant 0 : i32
      %dma_wait3A_120 = arith.constant 0 : i32
      %dma_wait3A_121 = tpu.memref_slice %arg2[%dma_wait3A_119, %dma_wait3A_120] : memref<30522x512xf32, #tpu.memory_space<hbm>> -> memref<40x512xf32, #tpu.memory_space<hbm>>
      tpu.wait_dma2 semaphore(%arg13 : memref<!tpu.dma_semaphore, #tpu.memory_space<semaphore_mem>>) src(%dma_wait3A_121 : memref<40x512xf32, #tpu.memory_space<hbm>>) dst(%arg9 : memref<40x512xf32, #tpu.memory_space<vmem>>)
      %mul3A_122 = arith.constant 40 : i32
      %mul3A_123 = arith.muli %add3A_115, %mul3A_122 : i32
      %add3A_124 = arith.addi %mul3A_2, %mul3A_123 : i32
      %dma_start3A_125 = arith.constant 0 : i32
      %dma_start3A_126 = tpu.memref_slice %arg4[%add3A_124, %dma_start3A_125] : memref<327680x512xf32, #tpu.memory_space<hbm>> -> memref<40x512xf32, #tpu.memory_space<hbm>>
      %dma_start3A_127 = arith.constant 0 : i32
      %dma_start3A_128 = tpu.memref_slice %arg4[%add3A_124, %dma_start3A_127] : memref<327680x512xf32, #tpu.memory_space<hbm>> -> memref<40x512xf32, #tpu.memory_space<hbm>>
      tpu.enqueue_dma source(%arg9 : memref<40x512xf32, #tpu.memory_space<vmem>>) target(%dma_start3A_128 : memref<40x512xf32, #tpu.memory_space<hbm>>) target_semaphore(%arg17 : memref<!tpu.dma_semaphore, #tpu.memory_space<semaphore_mem>>)
      %add3A_129 = arith.constant 4 : i32
      %add3A_130 = arith.addi %add3A_115, %add3A_129 : i32
      %lt3A_131 = arith.constant 256 : i32
      %lt3A_132 = arith.cmpi slt, %add3A_130, %lt3A_131 : i32
      %convert_element_type3A_133 = arith.extui %lt3A_132 : i1 to i32
      %cond3A_134 = arith.constant 0 : i32
      %cond3A_135 = arith.cmpi ne, %convert_element_type3A_133, %cond3A_134 : i32
      scf.if %cond3A_135 {
        %dma_wait3A_136 = arith.constant 0 : i32
        %dma_wait3A_137 = tpu.memref_slice %arg4[%mul3A_2, %dma_wait3A_136] : memref<327680x512xf32, #tpu.memory_space<hbm>> -> memref<40x512xf32, #tpu.memory_space<hbm>>
        %dma_wait3A_138 = arith.constant 0 : i32
        %dma_wait3A_139 = tpu.memref_slice %arg4[%mul3A_2, %dma_wait3A_138] : memref<327680x512xf32, #tpu.memory_space<hbm>> -> memref<40x512xf32, #tpu.memory_space<hbm>>
        tpu.wait_dma2 semaphore(%arg17 : memref<!tpu.dma_semaphore, #tpu.memory_space<semaphore_mem>>) src(%arg9 : memref<40x512xf32, #tpu.memory_space<vmem>>) dst(%dma_wait3A_139 : memref<40x512xf32, #tpu.memory_space<hbm>>)
        %add3A_140 = arith.constant 4 : i32
        %add3A_141 = arith.addi %add3A_115, %add3A_140 : i32
        %mul3A_142 = arith.constant 40 : i32
        %mul3A_143 = arith.muli %add3A_141, %mul3A_142 : i32
        %dma_start3A_144 = tpu.memref_slice %arg5[%mul3A_143] : memref<10240xi32, #tpu.memory_space<vmem>> -> memref<40xi32, #tpu.memory_space<vmem>>
        %dma_start3A_145 = arith.constant 0 : i32
        %dma_start3A_146 = arith.constant 0 : i32
        %dma_start3A_147 = tpu.memref_slice %arg2[%dma_start3A_145, %dma_start3A_146] : memref<30522x512xf32, #tpu.memory_space<hbm>> -> memref<30522x512xf32, #tpu.memory_space<hbm>>
        tpu.enqueue_indirect_dma source(%dma_start3A_147 : memref<30522x512xf32, #tpu.memory_space<hbm>>) target(%arg9 : memref<40x512xf32, #tpu.memory_space<vmem>>) offsets(%dma_start3A_144 : memref<40xi32, #tpu.memory_space<vmem>>) semaphore(%arg13 : memref<!tpu.dma_semaphore, #tpu.memory_space<semaphore_mem>>)
      } else {
      }
    }
    %scan3A_26 = arith.constant 64 : i32
    %dma_wait3A = arith.constant 0 : i32
    %dma_wait3A_27 = tpu.memref_slice %arg4[%mul3A_2, %dma_wait3A] : memref<327680x512xf32, #tpu.memory_space<hbm>> -> memref<40x512xf32, #tpu.memory_space<hbm>>
    %dma_wait3A_28 = arith.constant 0 : i32
    %dma_wait3A_29 = tpu.memref_slice %arg4[%mul3A_2, %dma_wait3A_28] : memref<327680x512xf32, #tpu.memory_space<hbm>> -> memref<40x512xf32, #tpu.memory_space<hbm>>
    tpu.wait_dma2 semaphore(%arg14 : memref<!tpu.dma_semaphore, #tpu.memory_space<semaphore_mem>>) src(%arg6 : memref<40x512xf32, #tpu.memory_space<vmem>>) dst(%dma_wait3A_29 : memref<40x512xf32, #tpu.memory_space<hbm>>)
    %dma_wait3A_30 = arith.constant 0 : i32
    %dma_wait3A_31 = tpu.memref_slice %arg4[%mul3A_2, %dma_wait3A_30] : memref<327680x512xf32, #tpu.memory_space<hbm>> -> memref<40x512xf32, #tpu.memory_space<hbm>>
    %dma_wait3A_32 = arith.constant 0 : i32
    %dma_wait3A_33 = tpu.memref_slice %arg4[%mul3A_2, %dma_wait3A_32] : memref<327680x512xf32, #tpu.memory_space<hbm>> -> memref<40x512xf32, #tpu.memory_space<hbm>>
    tpu.wait_dma2 semaphore(%arg15 : memref<!tpu.dma_semaphore, #tpu.memory_space<semaphore_mem>>) src(%arg7 : memref<40x512xf32, #tpu.memory_space<vmem>>) dst(%dma_wait3A_33 : memref<40x512xf32, #tpu.memory_space<hbm>>)
    %dma_wait3A_34 = arith.constant 0 : i32
    %dma_wait3A_35 = tpu.memref_slice %arg4[%mul3A_2, %dma_wait3A_34] : memref<327680x512xf32, #tpu.memory_space<hbm>> -> memref<40x512xf32, #tpu.memory_space<hbm>>
    %dma_wait3A_36 = arith.constant 0 : i32
    %dma_wait3A_37 = tpu.memref_slice %arg4[%mul3A_2, %dma_wait3A_36] : memref<327680x512xf32, #tpu.memory_space<hbm>> -> memref<40x512xf32, #tpu.memory_space<hbm>>
    tpu.wait_dma2 semaphore(%arg16 : memref<!tpu.dma_semaphore, #tpu.memory_space<semaphore_mem>>) src(%arg8 : memref<40x512xf32, #tpu.memory_space<vmem>>) dst(%dma_wait3A_37 : memref<40x512xf32, #tpu.memory_space<hbm>>)
    %dma_wait3A_38 = arith.constant 0 : i32
    %dma_wait3A_39 = tpu.memref_slice %arg4[%mul3A_2, %dma_wait3A_38] : memref<327680x512xf32, #tpu.memory_space<hbm>> -> memref<40x512xf32, #tpu.memory_space<hbm>>
    %dma_wait3A_40 = arith.constant 0 : i32
    %dma_wait3A_41 = tpu.memref_slice %arg4[%mul3A_2, %dma_wait3A_40] : memref<327680x512xf32, #tpu.memory_space<hbm>> -> memref<40x512xf32, #tpu.memory_space<hbm>>
    tpu.wait_dma2 semaphore(%arg17 : memref<!tpu.dma_semaphore, #tpu.memory_space<semaphore_mem>>) src(%arg9 : memref<40x512xf32, #tpu.memory_space<vmem>>) dst(%dma_wait3A_41 : memref<40x512xf32, #tpu.memory_space<hbm>>)
    return
  }
}

module attributes {stable_mosaic.version = 14 : i64} {
  func.func @_proj_body(%arg0: i32, %arg1: memref<1024x512xf32, #tpu.memory_space<vmem>>, %arg2: memref<512x512xf32, #tpu.memory_space<vmem>>, %arg3: memref<1x512xf32, #tpu.memory_space<vmem>>, %arg4: memref<1024x512xf32, #tpu.memory_space<vmem>>) attributes {dimension_semantics = [#tpu.dimension_semantics<arbitrary>], iteration_bounds = array<i64: 30>, scalar_prefetch = 0 : i64, scratch_operands = 0 : i64, tpu.core_type = #tpu.core_type<tc>, window_params = [{transform_indices = @transform_0, window_bounds = array<i64: 1024, 512>}, {pipeline_mode = #tpu.pipeline_mode<synchronous>, transform_indices = @transform_1, window_bounds = array<i64: 512, 512>}, {pipeline_mode = #tpu.pipeline_mode<synchronous>, transform_indices = @transform_2, window_bounds = array<i64: 1, 512>}, {transform_indices = @transform_3, window_bounds = array<i64: 1024, 512>}]} {
    %get3A = arith.constant 0 : index
    %get3A_0 = arith.constant 0 : index
    %get3A_1 = vector.load %arg1[%get3A, %get3A_0] : memref<1024x512xf32, #tpu.memory_space<vmem>>, vector<1024x512xf32>
    %get3A_2 = arith.constant 0 : index
    %get3A_3 = arith.constant 0 : index
    %get3A_4 = vector.load %arg2[%get3A_2, %get3A_3] : memref<512x512xf32, #tpu.memory_space<vmem>>, vector<512x512xf32>
    %dot_general3A = arith.constant dense<0.000000e+00> : vector<1024x512xf32>
    %dot_general3A_5 = tpu.matmul %get3A_1, %get3A_4, %dot_general3A {dimension_numbers = #tpu.dot_dimension_numbers<[1], [1], [0], [0], [0, 0, 1, 0], [], []>, transpose_lhs_hint = false} : vector<1024x512xf32>, vector<512x512xf32>, vector<1024x512xf32> -> vector<1024x512xf32>
    %get3A_6 = arith.constant 0 : index
    %get3A_7 = arith.constant 0 : index
    %get3A_8 = vector.load %arg3[%get3A_6, %get3A_7] : memref<1x512xf32, #tpu.memory_space<vmem>>, vector<1x512xf32>
    %add3A = vector.broadcast %get3A_8 : vector<1x512xf32> to vector<1024x512xf32>
    %add3A_9 = arith.addf %dot_general3A_5, %add3A : vector<1024x512xf32>
    %swap3A = arith.constant 0 : index
    %swap3A_10 = arith.constant 0 : index
    %swap3A_11 = vector.load %arg4[%swap3A, %swap3A_10] : memref<1024x512xf32, #tpu.memory_space<vmem>>, vector<1024x512xf32>
    tpu.vector_store %arg4[%swap3A, %swap3A_10], %add3A_9 {strides = array<i32>} : memref<1024x512xf32, #tpu.memory_space<vmem>>, vector<1024x512xf32>,
    return
  }
  func.func @transform_0(%arg0: i32) -> (i32, i32) {
    %c0_i32 = arith.constant 0 : i32
    %c0_i32_0 = arith.constant 0 : i32
    return %arg0, %c0_i32 : i32, i32
  }
  func.func @transform_1(%arg0: i32) -> (i32, i32) {
    %c0_i32 = arith.constant 0 : i32
    %c0_i32_0 = arith.constant 0 : i32
    %c0_i32_1 = arith.constant 0 : i32
    return %c0_i32, %c0_i32_0 : i32, i32
  }
  func.func @transform_2(%arg0: i32) -> (i32, i32) {
    %c0_i32 = arith.constant 0 : i32
    %c0_i32_0 = arith.constant 0 : i32
    %c0_i32_1 = arith.constant 0 : i32
    return %c0_i32, %c0_i32_0 : i32, i32
  }
  func.func @transform_3(%arg0: i32) -> (i32, i32) {
    %c0_i32 = arith.constant 0 : i32
    %c0_i32_0 = arith.constant 0 : i32
    return %arg0, %c0_i32 : i32, i32
  }
}

</mosaic_0001>

<sc_bundles>
// kernel: kernel.4.cloned.1.call-start
scs
__scs_entry_jumppad:
0x0: {  	(pc) =	sbr.rel $0x88, $3  }
0x1: {  	(tag) =	ssettag $0x0;
	lr =	simm.s32 $0x1  }
0x2: {  	[smem:$0x3F9D] =	sst lr;
	_ =	strace $0xD0000000  }
0x3: {  	_ = 	snop  }
0x4: {  	_ = 	snop  }
0x5: {  	_ = 	snop  }
0x6: {  	_ = 	snop  }
0x7: {  	_ = 	snop  }
__scs_overlays_trampoline_lowered:
0x8: {  	[smem:$0x3FAC] =	sst s0  }
0x9: {  	[smem:$0x3FAD] =	sst s1  }
0xa: {  	[smem:$0x3FAE] =	sst s2  }
0xb: {  	[smem:$0x3FAF] =	sst s3  }
0xc: {  	[smem:$0x3FB0] =	sst s4  }
0xd: {  	[smem:$0x3FB1] =	sst s5  }
0xe: {  	[smem:$0x3FB2] =	sst s6  }
0xf: {  	[smem:$0x3FB3] =	sst s7  }
0x10: {  	[smem:$0x3FB4] =	sst s8  }
0x11: {  	[smem:$0x3FB5] =	sst s9;
	s0 =	simm.s32 @!p0 $0x0  }
0x12: {  	s1 =	sld [smem:$0x3F9B];
	s0 =	simm.s32 @p0 $0x1  }
0x13: {  	[smem:$0x3FB6] =	sst s0;
	s0 =	simm.s32 @!p1 $0x0  }
0x14: {  	s2 =	sld [smem:$0x3F9A];
	s0 =	simm.s32 @p1 $0x1  }
0x15: {  	[smem:$0x3FB7] =	sst s0;
	s0 =	simm.s32 @!p2 $0x0  }
0x16: {  	s3 =	sld [smem:$0x3FDB];
	s0 =	simm.s32 @p2 $0x1  }
0x17: {  	s4 =	simm.s32 $0x1BF5;
	[smem:$0x3FB9] =	sst s0  }
0x18: {  	s0 =	sld [smem:$0x3F9C];
	_ =	swait.ge [sflag:s4], $0x0  }
0x19: {  	s7 =	sld [smem:$0x3F9D]  }
0x1a: {  	s8 =	sadd.s32 $0xFFFFE003, lr  }
0x1b: {  	s9 =	sadd.s32 $0xFFFFFEF7, lr;
	s5 =	simm.s32 $0xFFFFFFFF;
	p2 =	slt.u32 s8, $0xFFFFF086  }
0x1c: {  	p1 =	slt.u32 s9, $0xF7A;
	s5 =	simm.s32 @!p2 $0x0  }
0x1d: {  	s5 =	simm.s32 @p1 $0x1;
	p0 =	seq.s32 s7, s2  }
0x1e: {  	s7 =	smul.u32 @!p0 $0xF7A, s2;
	p2 =	seq.s32 @!p0 s5, $0x0  }
0x1f: {  	s9 =	smul.u32 $0xF7A, s1;
	s8 =	simm.s32 @!p0 $0x1BF5;
	p2 =	por !p2, p0  }
0x20: {  	[sflag:s8] =	ssyncset.s32 @!p0 $0xFFFFF086;
	s6 =	sadd.s32 @!p0 s3, s7;
	s7 =	simm.s32 @!p0 $0x108  }
0x21: {  	s3 =	sadd.s32 s3, s9;
	s6 =	sadd.s32 @!p0 $0x88, s6;
	s7 =	simm.s32 @p2 $0x1082  }
0x22: {  	[simem:s7], [sflag:s8] =	dma.local @!p0 [hbm:s6], $0xF7A  }
0x23: {  	s9 =	sor.u32 $0xD0000000, s2;
	s6 =	simm.s32 $0x108;
	_ =	swait.ge @!p0 [sflag:s8], $0x0  }
0x24: {  	s3 =	sadd.s32 $0x88, s3;
	s6 =	simm.s32 @!p1 $0x1082;
	[sflag:s4] =	ssyncset.s32 $0xFFFFF086  }
0x25: {  	[simem:s6], [sflag:s4] =	dma.local [hbm:s3], $0xF7A  }
0x26: {  	[smem:$0x3F9D] =	sst s1;
	(tag) =	ssettag s2;
	_ =	strace s9  }
0x27: {  	s1 =	sld [smem:$0x3FAD]  }
0x28: {  	s2 =	sld [smem:$0x3FAE]  }
0x29: {  	s4 =	sld [smem:$0x3FB0]  }
0x2a: {  	p0 =	seq.s32 s5, $0x0;
	s5 =	sld [smem:$0x3FB1]  }
0x2b: {  	s6 =	sld [smem:$0x3FB2]  }
0x2c: {  	s7 =	sld [smem:$0x3FB3]  }
0x2d: {  	s3 =	simm.s32 $0x108;
	s8 =	sld [smem:$0x3FB4]  }
0x2e: {  	s3 =	simm.s32 @!p0 $0x1082;
	s9 =	sld [smem:$0x3FB5]  }
0x2f: {  	lr =	sadd.s32 s0, s3;
	s0 =	sld [smem:$0x3FAC]  }
0x30: {  	s3 =	sld [smem:$0x3FAF]  }
0x31: {  	[smem:$0x3FB8] =	sst s10  }
0x32: {  	s10 =	sld [smem:$0x3FB6];
	_ =	sdelay $0x3  }
0x33: {  	p0 =	seq.s32 s10, $0x1;
	s10 =	sld [smem:$0x3FB8];
	_ =	sdelay $0x3  }
0x34: {  	[smem:$0x3FB8] =	sst s10  }
0x35: {  	s10 =	sld [smem:$0x3FB7];
	_ =	sdelay $0x3  }
0x36: {  	p1 =	seq.s32 s10, $0x1;
	s10 =	sld [smem:$0x3FB8];
	_ =	sdelay $0x3  }
0x37: {  	[smem:$0x3FB8] =	sst s10  }
0x38: {  	s10 =	sld [smem:$0x3FB9]  }
0x39: {  	_ = 	snop;
	(pc) =	sbr.ind lr, $3  }
0x3a: {  	_ = 	snop  }
0x3b: {  	_ = 	snop  }
0x3c: {  	p2 =	seq.s32 s10, $0x1;
	s10 =	sld [smem:$0x3FB8]  }
0x3d: {  	_ =	shalt  }
0x3e: {  	_ =	shalt  }
0x3f: {  	_ =	shalt  }
0x40: {  	_ =	shalt  }
0x41: {  	_ =	shalt  }
0x42: {  	_ =	shalt  }
0x43: {  	_ =	shalt  }
0x44: {  	_ =	shalt  }
0x45: {  	_ =	shalt  }
0x46: {  	_ =	shalt  }
0x47: {  	_ =	shalt  }
0x48: {  	_ =	shalt  }
0x49: {  	_ =	shalt  }
0x4a: {  	_ =	shalt  }
0x4b: {  	_ =	shalt  }
0x4c: {  	_ =	shalt  }
0x4d: {  	_ =	shalt  }
0x4e: {  	_ =	shalt  }
0x4f: {  	_ =	shalt  }
0x50: {  	_ =	shalt  }
0x51: {  	_ =	shalt  }
0x52: {  	_ =	shalt  }
0x53: {  	_ =	shalt  }
0x54: {  	_ =	shalt  }
0x55: {  	_ =	shalt  }
0x56: {  	_ =	shalt  }
0x57: {  	_ =	shalt  }
0x58: {  	_ =	shalt  }
0x59: {  	_ =	shalt  }
0x5a: {  	_ =	shalt  }
0x5b: {  	_ =	shalt  }
0x5c: {  	_ =	shalt  }
0x5d: {  	_ =	shalt  }
0x5e: {  	_ =	shalt  }
0x5f: {  	_ =	shalt  }
0x60: {  	_ =	shalt  }
0x61: {  	_ =	shalt  }
0x62: {  	_ =	shalt  }
0x63: {  	_ =	shalt  }
0x64: {  	_ =	shalt  }
0x65: {  	_ =	shalt  }
0x66: {  	_ =	shalt  }
0x67: {  	_ =	shalt  }
0x68: {  	_ =	shalt  }
0x69: {  	_ =	shalt  }
0x6a: {  	_ =	shalt  }
0x6b: {  	_ =	shalt  }
0x6c: {  	_ =	shalt  }
0x6d: {  	_ =	shalt  }
0x6e: {  	_ =	shalt  }
0x6f: {  	_ =	shalt  }
0x70: {  	_ =	shalt  }
0x71: {  	_ =	shalt  }
0x72: {  	_ =	shalt  }
0x73: {  	_ =	shalt  }
0x74: {  	_ =	shalt  }
0x75: {  	_ =	shalt  }
0x76: {  	_ =	shalt  }
0x77: {  	_ =	shalt  }
0x78: {  	_ =	shalt  }
0x79: {  	_ =	shalt  }
0x7a: {  	_ =	shalt  }
0x7b: {  	_ =	shalt  }
0x7c: {  	_ =	shalt  }
0x7d: {  	_ =	shalt  }
0x7e: {  	_ =	shalt  }
0x7f: {  	_ =	shalt  }
0x80: {  	_ =	shalt  }
0x81: {  	_ =	shalt  }
0x82: {  	_ =	shalt  }
0x83: {  	_ =	shalt  }
0x84: {  	_ =	shalt  }
0x85: {  	_ =	shalt  }
0x86: {  	_ =	shalt  }
0x87: {  	_ =	shalt  }
.Lfunc_end0:
.L_simem_size_0:
called_computation_lowered:
.L_overlay_start_0:
0x88: {  	s2 =	sld [smem:$0x3FD9]  }
0x89: {  	s3 =	sld [smem:$0x3FFE];
	_ =	sdelay $0x1  }
0x8a: {  	s1 =	srdreg.scid  }
0x8b: {  	s0 =	sand.u32 $0x1, s1  }
0x8c: {  	s17 =	sshll.u32 s0, $0xA;
	s2 =	sadd.s32 s3, s2  }
0x8d: {  	s2 =	sadd.s32 s2, s17  }
0x8e: {  	[smem:$0x3FC4] =	sst s2  }
0x8f: {  	_ = 	snop  }
0x90: {  	s2 =	sld [smem:$0x3FD0];
	(tm) =	ssettm $0x1  }
0x91: {  	s18 =	sld [smem:$0x3FFB];
	_ =	sdelay $0x3  }
0x92: {  	_ =	strace s18  }
0x93: {  	s3 =	sld [smem:$0x3FFC];
	_ =	sdelay $0x3  }
0x94: {  	_ =	strace s3  }
0x95: {  	s3 =	sld [smem:$0x3FFD];
	_ =	sdelay $0x3  }
0x96: {  	_ =	strace s3  }
0x97: {  	_ =	strace $0x8FFFFFFF  }
0x98: {  	s19 =	sld [smem:$0x3FDB];
	_ =	sdelay $0x1  }
0x99: {  	s4 =	simm.s32 $_scs_section_size  }
0x9a: {  	s5 =	simm.s32 $_size__tile_overlayer_lowered;
	s6 =	simm.s32 $_tile_overlayer_lowered  }
0x9b: {  	s22 =	simm.s32 $0x1BFF;
	s21 =	sshll.u32 s6, $0x1;
	s3 =	sadd.s32 s4, s19  }
0x9c: {  	s7 =	simm.s32 $0x0;
	s20 =	sshll.u32 s5, $0x1;
	s5 =	sadd.s32 s21, s3  }
0x9d: {  	[timem:s7], [sflag:s22] =	dma.local [hbm:s5], s20  }
0x9e: {  	_ =	swait.ge [sflag:s22], s20  }
0x9f: {  	s4 =	ssub.s32 $0x0, s20;
	[sflag:s22] =	ssyncset.done $0x0  }
0xa0: {  	[sflag:s22] =	ssyncadd.s32 s4;
	_ =	sdelay $0x1  }
0xa1: {  	s23 =	simm.s32 $0x1B8B  }
0xa2: {  	_ =	swait.ge [sflag:s23], $0x1  }
0xa3: {  	[sflag:s23] =	ssyncset.done $0x0  }
0xa4: {  	s25 =	simm.s32 $0x1B8E;
	s24 =	sld [smem:$0x3FFE];
	[sflag:s23] =	ssyncadd.s32 $0xFFFFFFFF  }
0xa5: {  	s26 =	simm.s32 $execute0_lowered;
	[smem:$0x3FD2] =	sst s25  }
0xa6: {  	s5 =	sshll.u32 s26, $0x1;
	_ =	strace $0x80000046;
	[dreg:$0x1] =	wrdreg $0xFFFFFFFF  }
0xa7: {  	s28 =	simm.s32 $_size_execute0_lowered;
	s3 =	sadd.s32 s3, s5;
	[dreg:$0x0] =	wrdreg $0x0  }
0xa8: {  	s5 =	sshll.u32 s28, $0x1;
	[dreg:$0x2] =	wrdreg s3  }
0xa9: {  	[dreg:$0x3] =	wrdreg s5  }
0xaa: {  	[dreg:$0x4] =	wrdreg $0xC0  }
0xab: {  	_ =	task [dreg:s7], $0x5FFFF  }
0xac: {  	[dreg:$0x1] =	wrdreg $0xFFFFFFFF  }
0xad: {  	[dreg:$0x0] =	wrdreg $0x60  }
0xae: {  	[dreg:$0x2] =	wrdreg s24  }
0xaf: {  	[dreg:$0x3] =	wrdreg s2  }
0xb0: {  	[dreg:$0x4] =	wrdreg $0x9  }
0xb1: {  	_ =	task.clear_ibuf [dreg:s7], $0x5FFFF;
	_ =	strace $0x90000046  }
0xb2: {  	s29 =	simm.s32 $0x9;
	_ =	strace $0x80000048  }
0xb3: {  	_ =	swait.ge [sflag:s29], $0x1  }
0xb4: {  	[sflag:s29] =	ssyncadd.s32 $0xFFFFFFFF  }
0xb5: {  	_ =	strace $0x90000048  }
0xb6: {  	_ =	sfence  }
0xb7: {  	s30 =	sld [smem:$0x0];
	_ =	sdelay $0x2  }
0xb8: {  	s31 =	sshll.u32 s1, $0xD;
	s1 =	sshrl.u32 s1, $0x2  }
0xb9: {  	s3 =	sand.u32 $0x4000, s31;
	s1 =	sadd.s32 s1, s30  }
0xba: {  	s0 =	sor.u32 s3, s0;
	s1 =	sshll.u32 s1, $0x11  }
0xbb: {  	s0 =	sor.u32 s1, s0  }
0xbc: {  	s0 =	sadd.s32 $0x8F2B, s0  }
0xbd: {  	[sflag:s0] =	ssyncadd.remote.s32 $0x1  }
0xbe: {  	_ =	sfence.sel $0xFFFF  }
0xbf: {  	[dreg:$0x0] =	wrdreg $0xFFFFFFFF;
	(pc) =	sbr.abs _section_cstart, $3  }
0xc0: {  	[dreg:$0x1] =	wrdreg $0xFFFFFFFF  }
0xc1: {  	_ =	task.clear_ibuf [dreg:s7], $0x2FFFF;
	_ =	strace $0x9FFFFFFF  }
0xc2: {  	(tm) =	ssettm $0x7FFFFFFF  }
0xc3: {  	_ =	shalt  }
tec
execute0_lowered:
.L_overlay_start_1:
0x0: {  	(tag) =	ssettag $0x1  }
0x1: {  	s0 =	rddreg [dreg:$0x0]  }
0x2: {  	s1 =	srdreg.scid;
	s9 =	stileid.u32  }
0x3: {  	s4 =	rddreg [dreg:$0x1];
	s2 =	simm.s32 $0x0;
	s11 =	simm.s32 $0x2800  }
0x4: {  	s14 =	simm.s32 $0x10800;
	s15 =	simm.s32 $0x11000;
	s16 =	simm.s32 $0x11800  }
0x5: {  	s17 =	simm.s32 $0x12000;
	s18 =	simm.s32 $0x12800;
	s19 =	simm.s32 $0x13000  }
0x6: {  	s20 =	simm.s32 $0x13800;
	s28 =	simm.s32 $0x1;
	s29 =	simm.s32 $0x2  }
0x7: {  	s30 =	simm.s32 $0x3;
	s31 =	simm.s32 $0x4;
	s1 =	sand.u32 $0x1, s1  }
0x8: {  	s3 =	sshll.u32 s9, $0x1;
	[smem:$0x7FF] =	sst s2;
	s23 =	smul.u32 $0x140000, s9  }
0x9: {  	s5 =	sor.u32 s1, s3;
	s7 =	ssub.s32 $0x2, s1;
	s1 =	smul.u32 $0xA0000, s1  }
0xa: {  	s10 =	simm.s32 $0x0;
	_ =	strace $0x80000047;
	s6 =	smul.u32 $0x2800, s5  }
0xb: {  	s3 =	sadd.s32 $0xA800, s0;
	s8 =	sshrl.u32 s7, $0x1;
	s21 =	smul.u32 $0xA0000, s5  }
0xc: {  	s5 =	sadd.s32 $0xA900, s0;
	s7 =	ssub.s32 s7, s8;
	s6 =	sshrl.u32 s6, $0x3  }
0xd: {  	s24 =	smax.u32 s7, $0x1;
	s25 =	sadd.s32 s4, s21;
	s21 =	simm.s32 $0x7800  }
0xe: {  	s7 =	simm.s32 $0x5;
	s6 =	sadd.s32 s6, s0;
	[dreg:$0x4] =	wrdreg s24  }
0xf: {  	s26 =	sadd.s32 $0x9E200, s25;
	s0 =	sadd.s32 s23, s4;
	s23 =	simm.s32 $0x14800  }
.Ltmp0:
0x10: {  	s24 =	simm.s32 $0x15000;
	s4 =	simm.s32 $0x7;
	(pc) =	sbr.rel .LBB2_1-.Ltmp0, $4  }
0x11: {  	s22 =	sadd.s32 $0x800, s6;
	[dreg:$0x5] =	wrdreg s26;
	s6 =	sadd.s32 $0x9F600, s25  }
0x12: {  	v2 =	vlaneseq.u32;
	s9 =	sadd.s32 s1, s0;
	s1 =	simm.s32 $0xC800;
	s25 =	simm.s32 $0x15800  }
0x13: {  	vm0 =	vmmov $0xffff;
	v1 =	vshrl.u32 v2, $0x3;
	s26 =	simm.s32 $0x16000;
	s0 =	simm.s32 $0x6;
	[dreg:$0x3] =	wrdreg s22  }
0x14: {  	v0 =	vand.u32 $0x7, v2;
	v2 =	vor.u32 $0x8, v2;
	v1 =	vmul.u32 $0x8, v1;
	[dreg:$0x6] =	wrdreg s6;
	s22 =	simm.s32 $0x14000;
	s6 =	simm.s32 $0x8  }
.LBB2_7:
0x15: {  	_ =	swait.ge [sflag:s31], $0x5000  }
0x16: {  	[sflag:s31] =	ssyncset.done $0x0  }
0x17: {  	s8 =	rddreg [dreg:$0x6];
	[sflag:s31] =	ssyncadd.s32 $0xFFFFB000  }
0x18: {  	[hbm4b:s8+s2] =	stream.linear.scatter [tilespmem:s16], [sflag:$0x8], $0x5000, $0x38;
	[tilespmem:$0x16800] =	vst v63  }
0x19: {  	_ =	swait.ge [sflag:s7], $0x5000  }
0x1a: {  	[sflag:s7] =	ssyncset.done $0x0  }
0x1b: {  	[sflag:s7] =	ssyncadd.s32 $0xFFFFB000  }
0x1c: {  	_ =	swait.ge [sflag:s0], $0x5000  }
0x1d: {  	[sflag:s0] =	ssyncset.done $0x0  }
0x1e: {  	[sflag:s0] =	ssyncadd.s32 $0xFFFFB000  }
0x1f: {  	_ =	swait.ge [sflag:s4], $0x5000  }
0x20: {  	[sflag:s4] =	ssyncset.done $0x0  }
0x21: {  	[sflag:s4] =	ssyncadd.s32 $0xFFFFB000  }
0x22: {  	_ =	swait.ge [sflag:s6], $0x5000  }
0x23: {  	s10 =	rddreg [dreg:$0x7]  }
0x24: {  	s13 =	rddreg [dreg:$0x4];
	s10 =	sadd.s32 $0x1, s10  }
0x25: {  	p0 =	sne.s32 s10, s13  }
.Ltmp1:
0x26: {  	_ = 	snop;
	(pc) =	sbr.rel @!p0 .LBB2_8-.Ltmp1, $3  }
0x27: {  	_ =	sdelay $0x1  }
0x28: {  	[sflag:s6] =	ssyncset.done $0x0  }
0x29: {  	[sflag:s6] =	ssyncadd.s32 $0xFFFFB000  }
.LBB2_1:
0x2a: {  	[dreg:$0x7] =	wrdreg s10  }
0x2b: {  	s8 =	rddreg [dreg:$0x3];
	s12 =	simm.s32 $0x9  }
0x2c: {  	[tilespmem:s2], [sflag:$0x9] =	stream.linear.gather [hbm4b:s8+s2], $0x2800, $0x38;
	[tilespmem:$0x16800] =	vst v63  }
0x2d: {  	_ =	swait.ge [sflag:s12], $0x2800  }
0x2e: {  	[sflag:s12] =	ssyncset.done $0x0  }
0x2f: {  	[sflag:s12] =	ssyncadd.s32 $0xFFFFD800  }
0x30: {  	v3 =	vld [tilespmem:$0x0];
	_ =	sdelay $0x4  }
0x31: {  	v4 =	vshll.u32 v3, $0x2  }
0x32: {  	v3 =	vand.u32 $0x7, v3;
	v4 =	vand.u32 $0xFFFFFFE0, v4  }
0x33: {  	v3 =	vor.u32 v3, v4  }
0x34: {  	v4 =	vperm.xlane v3, v0;
	_ =	sdelay $0x1  }
0x35: {  	v4 =	vadd.s32 v1, v4;
	_ =	sdelay $0x1  }
0x36: {  	v3 =	vperm.xlane v3, v2;
	_ =	sdelay $0x1  }
0x37: {  	v3 =	vadd.s32 v1, v3  }
0x38: {  	[tilespmem:s11], [sflag:$0x1] =	stream.indirect_vreg.gather [hbm4b:s3+s2], $0x80, v4, vm0, $0xb8;
	[tilespmem:$0x16800] =	vst v63  }
0x39: {  	s13 =	simm.s32 $0x3000  }
0x3a: {  	[tilespmem:s13], [sflag:$0x1] =	stream.indirect_vreg.gather [hbm4b:s5+s2], $0x80, v4, vm0, $0xb8;
	[tilespmem:$0x16800] =	vst v63  }
0x3b: {  	s10 =	simm.s32 $0x3800  }
0x3c: {  	[tilespmem:s10], [sflag:$0x1] =	stream.indirect_vreg.gather [hbm4b:s3+s2], $0x80, v3, vm0, $0xb8;
	[tilespmem:$0x16800] =	vst v63  }
0x3d: {  	s12 =	simm.s32 $0x4000  }
0x3e: {  	[tilespmem:s12], [sflag:$0x1] =	stream.indirect_vreg.gather [hbm4b:s5+s2], $0x80, v3, vm0, $0xb8;
	[tilespmem:$0x16800] =	vst v63  }
0x3f: {  	v3 =	vld [tilespmem:$0x10];
	_ =	sdelay $0x4  }
0x40: {  	v53 =	vshll.u32 v3, $0x2  }
0x41: {  	v3 =	vand.u32 $0x7, v3;
	v4 =	vand.u32 $0xFFFFFFE0, v53  }
0x42: {  	v3 =	vor.u32 v3, v4  }
0x43: {  	v4 =	vperm.xlane v3, v0;
	_ =	sdelay $0x1  }
0x44: {  	v4 =	vadd.s32 v1, v4;
	_ =	sdelay $0x1  }
0x45: {  	v3 =	vperm.xlane v3, v2;
	_ =	sdelay $0x1  }
0x46: {  	s13 =	simm.s32 $0x4800;
	v3 =	vadd.s32 v1, v3  }
0x47: {  	[tilespmem:s13], [sflag:$0x1] =	stream.indirect_vreg.gather [hbm4b:s3+s2], $0x80, v4, vm0, $0xb8;
	[tilespmem:$0x16800] =	vst v63  }
0x48: {  	s10 =	simm.s32 $0x5000  }
0x49: {  	[tilespmem:s10], [sflag:$0x1] =	stream.indirect_vreg.gather [hbm4b:s5+s2], $0x80, v4, vm0, $0xb8;
	[tilespmem:$0x16800] =	vst v63  }
0x4a: {  	s12 =	simm.s32 $0x5800  }
0x4b: {  	[tilespmem:s12], [sflag:$0x1] =	stream.indirect_vreg.gather [hbm4b:s3+s2], $0x80, v3, vm0, $0xb8;
	[tilespmem:$0x16800] =	vst v63  }
0x4c: {  	s13 =	simm.s32 $0x6000  }
0x4d: {  	[tilespmem:s13], [sflag:$0x1] =	stream.indirect_vreg.gather [hbm4b:s5+s2], $0x80, v3, vm0, $0xb8;
	[tilespmem:$0x16800] =	vst v63  }
0x4e: {  	v3 =	vld.msk [tilespmem:$0x20], $0xff;
	_ =	sdelay $0x4  }
0x4f: {  	v54 =	vshll.u32 v3, $0x2  }
0x50: {  	v3 =	vand.u32 $0x7, v3;
	v4 =	vand.u32 $0xFFFFFFE0, v54  }
0x51: {  	v3 =	vor.u32 v3, v4  }
0x52: {  	v3 =	vperm.xlane v3, v0;
	_ =	sdelay $0x1  }
0x53: {  	v3 =	vadd.s32 v1, v3;
	_ =	sdelay $0x3  }
0x54: {  	s10 =	simm.s32 $0x6800  }
0x55: {  	[tilespmem:s10], [sflag:$0x1] =	stream.indirect_vreg.gather [hbm4b:s3+s2], $0x80, v3, vm0, $0xb8;
	[tilespmem:$0x16800] =	vst v63  }
0x56: {  	s12 =	simm.s32 $0x7000  }
0x57: {  	[tilespmem:s12], [sflag:$0x1] =	stream.indirect_vreg.gather [hbm4b:s5+s2], $0x80, v3, vm0, $0xb8;
	[tilespmem:$0x16800] =	vst v63  }
0x58: {  	v3 =	vld [tilespmem:$0x28];
	_ =	sdelay $0x4  }
0x59: {  	v55 =	vshll.u32 v3, $0x2  }
0x5a: {  	v3 =	vand.u32 $0x7, v3;
	v4 =	vand.u32 $0xFFFFFFE0, v55  }
0x5b: {  	v3 =	vor.u32 v3, v4  }
0x5c: {  	v4 =	vperm.xlane v3, v0;
	_ =	sdelay $0x1  }
0x5d: {  	v4 =	vadd.s32 v1, v4;
	_ =	sdelay $0x1  }
0x5e: {  	v3 =	vperm.xlane v3, v2;
	_ =	sdelay $0x1  }
0x5f: {  	v3 =	vadd.s32 v1, v3  }
0x60: {  	[tilespmem:s21], [sflag:$0x2] =	stream.indirect_vreg.gather [hbm4b:s3+s2], $0x80, v4, vm0, $0xb8;
	[tilespmem:$0x16800] =	vst v63  }
0x61: {  	s13 =	simm.s32 $0x8000  }
0x62: {  	[tilespmem:s13], [sflag:$0x2] =	stream.indirect_vreg.gather [hbm4b:s5+s2], $0x80, v4, vm0, $0xb8;
	[tilespmem:$0x16800] =	vst v63  }
0x63: {  	s10 =	simm.s32 $0x8800  }
0x64: {  	[tilespmem:s10], [sflag:$0x2] =	stream.indirect_vreg.gather [hbm4b:s3+s2], $0x80, v3, vm0, $0xb8;
	[tilespmem:$0x16800] =	vst v63  }
0x65: {  	s12 =	simm.s32 $0x9000  }
0x66: {  	[tilespmem:s12], [sflag:$0x2] =	stream.indirect_vreg.gather [hbm4b:s5+s2], $0x80, v3, vm0, $0xb8;
	[tilespmem:$0x16800] =	vst v63  }
0x67: {  	v3 =	vld [tilespmem:$0x38];
	_ =	sdelay $0x4  }
0x68: {  	v56 =	vshll.u32 v3, $0x2  }
0x69: {  	v3 =	vand.u32 $0x7, v3;
	v4 =	vand.u32 $0xFFFFFFE0, v56  }
0x6a: {  	v3 =	vor.u32 v3, v4  }
0x6b: {  	v4 =	vperm.xlane v3, v0;
	_ =	sdelay $0x1  }
0x6c: {  	v4 =	vadd.s32 v1, v4;
	_ =	sdelay $0x1  }
0x6d: {  	v3 =	vperm.xlane v3, v2;
	_ =	sdelay $0x1  }
0x6e: {  	s13 =	simm.s32 $0x9800;
	v3 =	vadd.s32 v1, v3  }
0x6f: {  	[tilespmem:s13], [sflag:$0x2] =	stream.indirect_vreg.gather [hbm4b:s3+s2], $0x80, v4, vm0, $0xb8;
	[tilespmem:$0x16800] =	vst v63  }
0x70: {  	s10 =	simm.s32 $0xA000  }
0x71: {  	[tilespmem:s10], [sflag:$0x2] =	stream.indirect_vreg.gather [hbm4b:s5+s2], $0x80, v4, vm0, $0xb8;
	[tilespmem:$0x16800] =	vst v63  }
0x72: {  	s12 =	simm.s32 $0xA800  }
0x73: {  	[tilespmem:s12], [sflag:$0x2] =	stream.indirect_vreg.gather [hbm4b:s3+s2], $0x80, v3, vm0, $0xb8;
	[tilespmem:$0x16800] =	vst v63  }
0x74: {  	s13 =	simm.s32 $0xB000  }
0x75: {  	[tilespmem:s13], [sflag:$0x2] =	stream.indirect_vreg.gather [hbm4b:s5+s2], $0x80, v3, vm0, $0xb8;
	[tilespmem:$0x16800] =	vst v63  }
0x76: {  	v3 =	vld.msk [tilespmem:$0x48], $0xff;
	_ =	sdelay $0x4  }
0x77: {  	v57 =	vshll.u32 v3, $0x2  }
0x78: {  	v3 =	vand.u32 $0x7, v3;
	v4 =	vand.u32 $0xFFFFFFE0, v57  }
0x79: {  	v3 =	vor.u32 v3, v4  }
0x7a: {  	v3 =	vperm.xlane v3, v0;
	_ =	sdelay $0x1  }
0x7b: {  	v3 =	vadd.s32 v1, v3;
	_ =	sdelay $0x3  }
0x7c: {  	s10 =	simm.s32 $0xB800  }
0x7d: {  	[tilespmem:s10], [sflag:$0x2] =	stream.indirect_vreg.gather [hbm4b:s3+s2], $0x80, v3, vm0, $0xb8;
	[tilespmem:$0x16800] =	vst v63  }
0x7e: {  	s12 =	simm.s32 $0xC000  }
0x7f: {  	[tilespmem:s12], [sflag:$0x2] =	stream.indirect_vreg.gather [hbm4b:s5+s2], $0x80, v3, vm0, $0xb8;
	[tilespmem:$0x16800] =	vst v63  }
0x80: {  	v3 =	vld [tilespmem:$0x50];
	_ =	sdelay $0x4  }
0x81: {  	v58 =	vshll.u32 v3, $0x2  }
0x82: {  	v3 =	vand.u32 $0x7, v3;
	v4 =	vand.u32 $0xFFFFFFE0, v58  }
0x83: {  	v3 =	vor.u32 v3, v4  }
0x84: {  	v4 =	vperm.xlane v3, v0;
	_ =	sdelay $0x1  }
0x85: {  	v4 =	vadd.s32 v1, v4;
	_ =	sdelay $0x1  }
0x86: {  	v3 =	vperm.xlane v3, v2;
	_ =	sdelay $0x1  }
0x87: {  	v3 =	vadd.s32 v1, v3  }
0x88: {  	[tilespmem:s1], [sflag:$0x3] =	stream.indirect_vreg.gather [hbm4b:s3+s2], $0x80, v4, vm0, $0xb8;
	[tilespmem:$0x16800] =	vst v63  }
0x89: {  	s13 =	simm.s32 $0xD000  }
0x8a: {  	[tilespmem:s13], [sflag:$0x3] =	stream.indirect_vreg.gather [hbm4b:s5+s2], $0x80, v4, vm0, $0xb8;
	[tilespmem:$0x16800] =	vst v63  }
0x8b: {  	s10 =	simm.s32 $0xD800  }
0x8c: {  	[tilespmem:s10], [sflag:$0x3] =	stream.indirect_vreg.gather [hbm4b:s3+s2], $0x80, v3, vm0, $0xb8;
	[tilespmem:$0x16800] =	vst v63  }
0x8d: {  	s12 =	simm.s32 $0xE000  }
0x8e: {  	[tilespmem:s12], [sflag:$0x3] =	stream.indirect_vreg.gather [hbm4b:s5+s2], $0x80, v3, vm0, $0xb8;
	[tilespmem:$0x16800] =	vst v63  }
0x8f: {  	v3 =	vld [tilespmem:$0x60];
	_ =	sdelay $0x4  }
0x90: {  	v59 =	vshll.u32 v3, $0x2  }
0x91: {  	v3 =	vand.u32 $0x7, v3;
	v4 =	vand.u32 $0xFFFFFFE0, v59  }
0x92: {  	v3 =	vor.u32 v3, v4  }
0x93: {  	v4 =	vperm.xlane v3, v0;
	_ =	sdelay $0x1  }
0x94: {  	v4 =	vadd.s32 v1, v4;
	_ =	sdelay $0x1  }
0x95: {  	v3 =	vperm.xlane v3, v2;
	_ =	sdelay $0x1  }
0x96: {  	s13 =	simm.s32 $0xE800;
	v3 =	vadd.s32 v1, v3  }
0x97: {  	[tilespmem:s13], [sflag:$0x3] =	stream.indirect_vreg.gather [hbm4b:s3+s2], $0x80, v4, vm0, $0xb8;
	[tilespmem:$0x16800] =	vst v63  }
0x98: {  	s10 =	simm.s32 $0xF000  }
0x99: {  	[tilespmem:s10], [sflag:$0x3] =	stream.indirect_vreg.gather [hbm4b:s5+s2], $0x80, v4, vm0, $0xb8;
	[tilespmem:$0x16800] =	vst v63  }
0x9a: {  	s12 =	simm.s32 $0xF800  }
0x9b: {  	[tilespmem:s12], [sflag:$0x3] =	stream.indirect_vreg.gather [hbm4b:s3+s2], $0x80, v3, vm0, $0xb8;
	[tilespmem:$0x16800] =	vst v63  }
0x9c: {  	s13 =	simm.s32 $0x10000  }
0x9d: {  	[tilespmem:s13], [sflag:$0x3] =	stream.indirect_vreg.gather [hbm4b:s5+s2], $0x80, v3, vm0, $0xb8;
	[tilespmem:$0x16800] =	vst v63  }
0x9e: {  	v3 =	vld.msk [tilespmem:$0x70], $0xff;
	_ =	sdelay $0x4  }
0x9f: {  	v60 =	vshll.u32 v3, $0x2  }
0xa0: {  	v3 =	vand.u32 $0x7, v3;
	v4 =	vand.u32 $0xFFFFFFE0, v60  }
0xa1: {  	v3 =	vor.u32 v3, v4  }
0xa2: {  	v3 =	vperm.xlane v3, v0;
	_ =	sdelay $0x1  }
0xa3: {  	v3 =	vadd.s32 v1, v3;
	_ =	sdelay $0x4  }
0xa4: {  	[tilespmem:s14], [sflag:$0x3] =	stream.indirect_vreg.gather [hbm4b:s3+s2], $0x80, v3, vm0, $0xb8;
	[tilespmem:$0x16800] =	vst v63  }
0xa5: {  	_ = 	snop  }
0xa6: {  	[tilespmem:s15], [sflag:$0x3] =	stream.indirect_vreg.gather [hbm4b:s5+s2], $0x80, v3, vm0, $0xb8;
	[tilespmem:$0x16800] =	vst v63  }
0xa7: {  	v3 =	vld [tilespmem:$0x78];
	_ =	sdelay $0x4  }
0xa8: {  	v61 =	vshll.u32 v3, $0x2  }
0xa9: {  	v3 =	vand.u32 $0x7, v3;
	v4 =	vand.u32 $0xFFFFFFE0, v61  }
0xaa: {  	v3 =	vor.u32 v3, v4  }
0xab: {  	v4 =	vperm.xlane v3, v0;
	_ =	sdelay $0x1  }
0xac: {  	v4 =	vadd.s32 v1, v4;
	_ =	sdelay $0x1  }
0xad: {  	v3 =	vperm.xlane v3, v2;
	_ =	sdelay $0x1  }
0xae: {  	v3 =	vadd.s32 v1, v3  }
0xaf: {  	[tilespmem:s16], [sflag:$0x4] =	stream.indirect_vreg.gather [hbm4b:s3+s2], $0x80, v4, vm0, $0xb8;
	[tilespmem:$0x16800] =	vst v63  }
0xb0: {  	_ = 	snop  }
0xb1: {  	[tilespmem:s17], [sflag:$0x4] =	stream.indirect_vreg.gather [hbm4b:s5+s2], $0x80, v4, vm0, $0xb8;
	[tilespmem:$0x16800] =	vst v63  }
0xb2: {  	_ = 	snop  }
0xb3: {  	[tilespmem:s18], [sflag:$0x4] =	stream.indirect_vreg.gather [hbm4b:s3+s2], $0x80, v3, vm0, $0xb8;
	[tilespmem:$0x16800] =	vst v63  }
0xb4: {  	_ = 	snop  }
0xb5: {  	[tilespmem:s19], [sflag:$0x4] =	stream.indirect_vreg.gather [hbm4b:s5+s2], $0x80, v3, vm0, $0xb8;
	[tilespmem:$0x16800] =	vst v63  }
0xb6: {  	v3 =	vld [tilespmem:$0x88];
	_ =	sdelay $0x4  }
0xb7: {  	v62 =	vshll.u32 v3, $0x2  }
0xb8: {  	v3 =	vand.u32 $0x7, v3;
	v4 =	vand.u32 $0xFFFFFFE0, v62  }
0xb9: {  	v3 =	vor.u32 v3, v4  }
0xba: {  	v4 =	vperm.xlane v3, v0;
	_ =	sdelay $0x1  }
0xbb: {  	v4 =	vadd.s32 v1, v4;
	_ =	sdelay $0x1  }
0xbc: {  	v3 =	vperm.xlane v3, v2;
	_ =	sdelay $0x1  }
0xbd: {  	v3 =	vadd.s32 v1, v3  }
0xbe: {  	[tilespmem:s20], [sflag:$0x4] =	stream.indirect_vreg.gather [hbm4b:s3+s2], $0x80, v4, vm0, $0xb8;
	[tilespmem:$0x16800] =	vst v63  }
0xbf: {  	_ = 	snop  }
0xc0: {  	[tilespmem:s22], [sflag:$0x4] =	stream.indirect_vreg.gather [hbm4b:s5+s2], $0x80, v4, vm0, $0xb8;
	[tilespmem:$0x16800] =	vst v63  }
0xc1: {  	_ = 	snop  }
0xc2: {  	[tilespmem:s23], [sflag:$0x4] =	stream.indirect_vreg.gather [hbm4b:s3+s2], $0x80, v3, vm0, $0xb8;
	[tilespmem:$0x16800] =	vst v63  }
0xc3: {  	_ = 	snop  }
0xc4: {  	[tilespmem:s24], [sflag:$0x4] =	stream.indirect_vreg.gather [hbm4b:s5+s2], $0x80, v3, vm0, $0xb8;
	[tilespmem:$0x16800] =	vst v63  }
0xc5: {  	v3 =	vld.msk [tilespmem:$0x98], $0xff;
	_ =	sdelay $0x4  }
0xc6: {  	v63 =	vshll.u32 v3, $0x2  }
0xc7: {  	v3 =	vand.u32 $0x7, v3;
	v4 =	vand.u32 $0xFFFFFFE0, v63  }
0xc8: {  	v3 =	vor.u32 v3, v4  }
0xc9: {  	v3 =	vperm.xlane v3, v0;
	_ =	sdelay $0x1  }
0xca: {  	v3 =	vadd.s32 v1, v3;
	_ =	sdelay $0x4  }
0xcb: {  	[tilespmem:s25], [sflag:$0x4] =	stream.indirect_vreg.gather [hbm4b:s3+s2], $0x80, v3, vm0, $0xb8;
	[tilespmem:$0x16800] =	vst v63  }
0xcc: {  	s8 =	simm.s32 $0x138;
	s10 =	simm.s32 $0x0  }
0xcd: {  	[tilespmem:s26], [sflag:$0x4] =	stream.indirect_vreg.gather [hbm4b:s5+s2], $0x80, v3, vm0, $0xb8;
	[tilespmem:$0x16800] =	vst v63  }
.LBB2_2:
0xce: {  	p0 =	seq.s32 s10, $0x9D800  }
.Ltmp2:
0xcf: {  	_ = 	snop;
	(pc) =	sbr.rel @!p0 .LBB2_3-.Ltmp2, $4  }
0xd0: {  	_ =	swait.ge [sflag:s28], $0x5000  }
0xd1: {  	[sflag:s28] =	ssyncset.done $0x0  }
0xd2: {  	s12 =	sadd.s32 s10, s9;
	[sflag:s28] =	ssyncadd.s32 $0xFFFFB000  }
0xd3: {  	[hbm4b:s12+s2] =	stream.linear.scatter [tilespmem:s11], [sflag:$0x5], $0x5000, $0x38;
	[tilespmem:$0x16800] =	vst v63  }
.Ltmp3:
0xd4: {  	(pc) =	sbr.rel .LBB2_5-.Ltmp3, $4  }
0xd5: {  	_ =	swait.ge [sflag:s29], $0x5000  }
0xd6: {  	[sflag:s29] =	ssyncset.done $0x0  }
0xd7: {  	s13 =	rddreg [dreg:$0x5];
	[sflag:s29] =	ssyncadd.s32 $0xFFFFB000  }
0xd8: {  	[hbm4b:s13+s2] =	stream.linear.scatter [tilespmem:s21], [sflag:$0x6], $0x5000, $0x38;
	[tilespmem:$0x16800] =	vst v63  }
.LBB2_3:
0xd9: {  	_ =	swait.ge [sflag:s7], $0x5000  }
0xda: {  	[sflag:s7] =	ssyncset.done $0x0  }
0xdb: {  	[sflag:s7] =	ssyncadd.s32 $0xFFFFB000  }
0xdc: {  	v3 =	vld [tilespmem:s8+$0xFFFFFF68];
	_ =	sdelay $0x4  }
0xdd: {  	v4 =	vshll.u32 v3, $0x2  }
0xde: {  	v3 =	vand.u32 $0x7, v3;
	v4 =	vand.u32 $0xFFFFFFE0, v4  }
0xdf: {  	v3 =	vor.u32 v3, v4  }
0xe0: {  	v4 =	vperm.xlane v3, v0;
	_ =	sdelay $0x1  }
0xe1: {  	v4 =	vadd.s32 v1, v4;
	_ =	sdelay $0x1  }
0xe2: {  	v3 =	vperm.xlane v3, v2;
	_ =	sdelay $0x1  }
0xe3: {  	v3 =	vadd.s32 v1, v3  }
0xe4: {  	[tilespmem:s11], [sflag:$0x1] =	stream.indirect_vreg.gather [hbm4b:s3+s2], $0x80, v4, vm0, $0xb8;
	[tilespmem:$0x16800] =	vst v63  }
0xe5: {  	s13 =	simm.s32 $0x3000  }
0xe6: {  	[tilespmem:s13], [sflag:$0x1] =	stream.indirect_vreg.gather [hbm4b:s5+s2], $0x80, v4, vm0, $0xb8;
	[tilespmem:$0x16800] =	vst v63  }
0xe7: {  	s13 =	simm.s32 $0x3800  }
0xe8: {  	[tilespmem:s13], [sflag:$0x1] =	stream.indirect_vreg.gather [hbm4b:s3+s2], $0x80, v3, vm0, $0xb8;
	[tilespmem:$0x16800] =	vst v63  }
0xe9: {  	s13 =	simm.s32 $0x4000  }
0xea: {  	[tilespmem:s13], [sflag:$0x1] =	stream.indirect_vreg.gather [hbm4b:s5+s2], $0x80, v3, vm0, $0xb8;
	[tilespmem:$0x16800] =	vst v63  }
0xeb: {  	v3 =	vld [tilespmem:s8+$0xFFFFFF78];
	_ =	sdelay $0x4  }
0xec: {  	v59 =	vshll.u32 v3, $0x2  }
0xed: {  	v3 =	vand.u32 $0x7, v3;
	v4 =	vand.u32 $0xFFFFFFE0, v59  }
0xee: {  	v3 =	vor.u32 v3, v4  }
0xef: {  	v4 =	vperm.xlane v3, v0;
	_ =	sdelay $0x1  }
0xf0: {  	v4 =	vadd.s32 v1, v4;
	_ =	sdelay $0x1  }
0xf1: {  	v3 =	vperm.xlane v3, v2;
	_ =	sdelay $0x1  }
0xf2: {  	s13 =	simm.s32 $0x4800;
	v3 =	vadd.s32 v1, v3  }
0xf3: {  	[tilespmem:s13], [sflag:$0x1] =	stream.indirect_vreg.gather [hbm4b:s3+s2], $0x80, v4, vm0, $0xb8;
	[tilespmem:$0x16800] =	vst v63  }
0xf4: {  	s13 =	simm.s32 $0x5000  }
0xf5: {  	[tilespmem:s13], [sflag:$0x1] =	stream.indirect_vreg.gather [hbm4b:s5+s2], $0x80, v4, vm0, $0xb8;
	[tilespmem:$0x16800] =	vst v63  }
0xf6: {  	s13 =	simm.s32 $0x5800  }
0xf7: {  	[tilespmem:s13], [sflag:$0x1] =	stream.indirect_vreg.gather [hbm4b:s3+s2], $0x80, v3, vm0, $0xb8;
	[tilespmem:$0x16800] =	vst v63  }
0xf8: {  	s13 =	simm.s32 $0x6000  }
0xf9: {  	[tilespmem:s13], [sflag:$0x1] =	stream.indirect_vreg.gather [hbm4b:s5+s2], $0x80, v3, vm0, $0xb8;
	[tilespmem:$0x16800] =	vst v63  }
0xfa: {  	v3 =	vld.msk [tilespmem:s8+$0xFFFFFF88], $0xff;
	_ =	sdelay $0x4  }
0xfb: {  	v60 =	vshll.u32 v3, $0x2  }
0xfc: {  	v3 =	vand.u32 $0x7, v3;
	v4 =	vand.u32 $0xFFFFFFE0, v60  }
0xfd: {  	v3 =	vor.u32 v3, v4  }
0xfe: {  	v3 =	vperm.xlane v3, v0;
	_ =	sdelay $0x1  }
0xff: {  	v3 =	vadd.s32 v1, v3;
	_ =	sdelay $0x3  }
0x100: {  	s13 =	simm.s32 $0x6800  }
0x101: {  	[tilespmem:s13], [sflag:$0x1] =	stream.indirect_vreg.gather [hbm4b:s3+s2], $0x80, v3, vm0, $0xb8;
	[tilespmem:$0x16800] =	vst v63  }
0x102: {  	s13 =	simm.s32 $0x7000  }
0x103: {  	[tilespmem:s13], [sflag:$0x1] =	stream.indirect_vreg.gather [hbm4b:s5+s2], $0x80, v3, vm0, $0xb8;
	[tilespmem:$0x16800] =	vst v63  }
0x104: {  	_ =	swait.ge [sflag:s29], $0x5000  }
0x105: {  	[sflag:s29] =	ssyncset.done $0x0  }
0x106: {  	s13 =	sadd.s32 $0xA00, s12;
	[sflag:s29] =	ssyncadd.s32 $0xFFFFB000  }
0x107: {  	[hbm4b:s13+s2] =	stream.linear.scatter [tilespmem:s21], [sflag:$0x6], $0x5000, $0x38;
	[tilespmem:$0x16800] =	vst v63  }
0x108: {  	_ =	swait.ge [sflag:s0], $0x5000  }
0x109: {  	[sflag:s0] =	ssyncset.done $0x0  }
0x10a: {  	[sflag:s0] =	ssyncadd.s32 $0xFFFFB000  }
0x10b: {  	v3 =	vld [tilespmem:s8+$0xFFFFFF90];
	_ =	sdelay $0x4  }
0x10c: {  	v61 =	vshll.u32 v3, $0x2  }
0x10d: {  	v3 =	vand.u32 $0x7, v3;
	v4 =	vand.u32 $0xFFFFFFE0, v61  }
0x10e: {  	v3 =	vor.u32 v3, v4  }
0x10f: {  	v4 =	vperm.xlane v3, v0;
	_ =	sdelay $0x1  }
0x110: {  	v4 =	vadd.s32 v1, v4;
	_ =	sdelay $0x1  }
0x111: {  	v3 =	vperm.xlane v3, v2;
	_ =	sdelay $0x1  }
0x112: {  	v3 =	vadd.s32 v1, v3  }
0x113: {  	[tilespmem:s21], [sflag:$0x2] =	stream.indirect_vreg.gather [hbm4b:s3+s2], $0x80, v4, vm0, $0xb8;
	[tilespmem:$0x16800] =	vst v63  }
0x114: {  	s13 =	simm.s32 $0x8000  }
0x115: {  	[tilespmem:s13], [sflag:$0x2] =	stream.indirect_vreg.gather [hbm4b:s5+s2], $0x80, v4, vm0, $0xb8;
	[tilespmem:$0x16800] =	vst v63  }
0x116: {  	s13 =	simm.s32 $0x8800  }
0x117: {  	[tilespmem:s13], [sflag:$0x2] =	stream.indirect_vreg.gather [hbm4b:s3+s2], $0x80, v3, vm0, $0xb8;
	[tilespmem:$0x16800] =	vst v63  }
0x118: {  	s13 =	simm.s32 $0x9000  }
0x119: {  	[tilespmem:s13], [sflag:$0x2] =	stream.indirect_vreg.gather [hbm4b:s5+s2], $0x80, v3, vm0, $0xb8;
	[tilespmem:$0x16800] =	vst v63  }
0x11a: {  	v3 =	vld [tilespmem:s8+$0xFFFFFFA0];
	_ =	sdelay $0x4  }
0x11b: {  	v62 =	vshll.u32 v3, $0x2  }
0x11c: {  	v3 =	vand.u32 $0x7, v3;
	v4 =	vand.u32 $0xFFFFFFE0, v62  }
0x11d: {  	v3 =	vor.u32 v3, v4  }
0x11e: {  	v4 =	vperm.xlane v3, v0;
	_ =	sdelay $0x1  }
0x11f: {  	v4 =	vadd.s32 v1, v4;
	_ =	sdelay $0x1  }
0x120: {  	v3 =	vperm.xlane v3, v2;
	_ =	sdelay $0x1  }
0x121: {  	s13 =	simm.s32 $0x9800;
	v3 =	vadd.s32 v1, v3  }
0x122: {  	[tilespmem:s13], [sflag:$0x2] =	stream.indirect_vreg.gather [hbm4b:s3+s2], $0x80, v4, vm0, $0xb8;
	[tilespmem:$0x16800] =	vst v63  }
0x123: {  	s13 =	simm.s32 $0xA000  }
0x124: {  	[tilespmem:s13], [sflag:$0x2] =	stream.indirect_vreg.gather [hbm4b:s5+s2], $0x80, v4, vm0, $0xb8;
	[tilespmem:$0x16800] =	vst v63  }
0x125: {  	s13 =	simm.s32 $0xA800  }
0x126: {  	[tilespmem:s13], [sflag:$0x2] =	stream.indirect_vreg.gather [hbm4b:s3+s2], $0x80, v3, vm0, $0xb8;
	[tilespmem:$0x16800] =	vst v63  }
0x127: {  	s13 =	simm.s32 $0xB000  }
0x128: {  	[tilespmem:s13], [sflag:$0x2] =	stream.indirect_vreg.gather [hbm4b:s5+s2], $0x80, v3, vm0, $0xb8;
	[tilespmem:$0x16800] =	vst v63  }
0x129: {  	v3 =	vld.msk [tilespmem:s8+$0xFFFFFFB0], $0xff;
	_ =	sdelay $0x4  }
0x12a: {  	v63 =	vshll.u32 v3, $0x2  }
0x12b: {  	v3 =	vand.u32 $0x7, v3;
	v4 =	vand.u32 $0xFFFFFFE0, v63  }
0x12c: {  	v3 =	vor.u32 v3, v4  }
0x12d: {  	v3 =	vperm.xlane v3, v0;
	_ =	sdelay $0x1  }
0x12e: {  	v3 =	vadd.s32 v1, v3;
	_ =	sdelay $0x3  }
0x12f: {  	s13 =	simm.s32 $0xB800  }
0x130: {  	[tilespmem:s13], [sflag:$0x2] =	stream.indirect_vreg.gather [hbm4b:s3+s2], $0x80, v3, vm0, $0xb8;
	[tilespmem:$0x16800] =	vst v63  }
0x131: {  	s13 =	simm.s32 $0xC000  }
0x132: {  	[tilespmem:s13], [sflag:$0x2] =	stream.indirect_vreg.gather [hbm4b:s5+s2], $0x80, v3, vm0, $0xb8;
	[tilespmem:$0x16800] =	vst v63  }
.LBB2_5:
.Ltmp4:
0x133: {  	(pc) =	sbr.rel @p0 .LBB2_7-.Ltmp4, $4  }
0x134: {  	_ =	swait.ge [sflag:s30], $0x5000  }
0x135: {  	[sflag:s30] =	ssyncset.done $0x0  }
0x136: {  	s13 =	sadd.s32 $0x1400, s12;
	[sflag:s30] =	ssyncadd.s32 $0xFFFFB000  }
0x137: {  	[hbm4b:s13+s2] =	stream.linear.scatter [tilespmem:s1], [sflag:$0x7], $0x5000, $0x38;
	[tilespmem:$0x16800] =	vst v63  }
0x138: {  	_ =	swait.ge [sflag:s4], $0x5000  }
0x139: {  	[sflag:s4] =	ssyncset.done $0x0  }
0x13a: {  	[sflag:s4] =	ssyncadd.s32 $0xFFFFB000  }
0x13b: {  	v3 =	vld [tilespmem:s8+$0xFFFFFFB8];
	_ =	sdelay $0x4  }
0x13c: {  	v4 =	vshll.u32 v3, $0x2  }
0x13d: {  	v3 =	vand.u32 $0x7, v3;
	v4 =	vand.u32 $0xFFFFFFE0, v4  }
0x13e: {  	v3 =	vor.u32 v3, v4  }
0x13f: {  	v4 =	vperm.xlane v3, v0;
	_ =	sdelay $0x1  }
0x140: {  	v4 =	vadd.s32 v1, v4;
	_ =	sdelay $0x1  }
0x141: {  	v3 =	vperm.xlane v3, v2;
	_ =	sdelay $0x1  }
0x142: {  	v3 =	vadd.s32 v1, v3  }
0x143: {  	[tilespmem:s1], [sflag:$0x3] =	stream.indirect_vreg.gather [hbm4b:s3+s2], $0x80, v4, vm0, $0xb8;
	[tilespmem:$0x16800] =	vst v63  }
0x144: {  	s13 =	simm.s32 $0xD000  }
0x145: {  	[tilespmem:s13], [sflag:$0x3] =	stream.indirect_vreg.gather [hbm4b:s5+s2], $0x80, v4, vm0, $0xb8;
	[tilespmem:$0x16800] =	vst v63  }
0x146: {  	s13 =	simm.s32 $0xD800  }
0x147: {  	[tilespmem:s13], [sflag:$0x3] =	stream.indirect_vreg.gather [hbm4b:s3+s2], $0x80, v3, vm0, $0xb8;
	[tilespmem:$0x16800] =	vst v63  }
0x148: {  	s13 =	simm.s32 $0xE000  }
0x149: {  	[tilespmem:s13], [sflag:$0x3] =	stream.indirect_vreg.gather [hbm4b:s5+s2], $0x80, v3, vm0, $0xb8;
	[tilespmem:$0x16800] =	vst v63  }
0x14a: {  	v3 =	vld [tilespmem:s8+$0xFFFFFFC8];
	_ =	sdelay $0x4  }
0x14b: {  	v59 =	vshll.u32 v3, $0x2  }
0x14c: {  	v3 =	vand.u32 $0x7, v3;
	v4 =	vand.u32 $0xFFFFFFE0, v59  }
0x14d: {  	v3 =	vor.u32 v3, v4  }
0x14e: {  	v4 =	vperm.xlane v3, v0;
	_ =	sdelay $0x1  }
0x14f: {  	v4 =	vadd.s32 v1, v4;
	_ =	sdelay $0x1  }
0x150: {  	v3 =	vperm.xlane v3, v2;
	_ =	sdelay $0x1  }
0x151: {  	s13 =	simm.s32 $0xE800;
	v3 =	vadd.s32 v1, v3  }
0x152: {  	[tilespmem:s13], [sflag:$0x3] =	stream.indirect_vreg.gather [hbm4b:s3+s2], $0x80, v4, vm0, $0xb8;
	[tilespmem:$0x16800] =	vst v63  }
0x153: {  	s13 =	simm.s32 $0xF000  }
0x154: {  	[tilespmem:s13], [sflag:$0x3] =	stream.indirect_vreg.gather [hbm4b:s5+s2], $0x80, v4, vm0, $0xb8;
	[tilespmem:$0x16800] =	vst v63  }
0x155: {  	s13 =	simm.s32 $0xF800  }
0x156: {  	[tilespmem:s13], [sflag:$0x3] =	stream.indirect_vreg.gather [hbm4b:s3+s2], $0x80, v3, vm0, $0xb8;
	[tilespmem:$0x16800] =	vst v63  }
0x157: {  	s13 =	simm.s32 $0x10000  }
0x158: {  	[tilespmem:s13], [sflag:$0x3] =	stream.indirect_vreg.gather [hbm4b:s5+s2], $0x80, v3, vm0, $0xb8;
	[tilespmem:$0x16800] =	vst v63  }
0x159: {  	v3 =	vld.msk [tilespmem:s8+$0xFFFFFFD8], $0xff;
	_ =	sdelay $0x4  }
0x15a: {  	v60 =	vshll.u32 v3, $0x2  }
0x15b: {  	v3 =	vand.u32 $0x7, v3;
	v4 =	vand.u32 $0xFFFFFFE0, v60  }
0x15c: {  	v3 =	vor.u32 v3, v4  }
0x15d: {  	v3 =	vperm.xlane v3, v0;
	_ =	sdelay $0x1  }
0x15e: {  	v3 =	vadd.s32 v1, v3;
	_ =	sdelay $0x4  }
0x15f: {  	[tilespmem:s14], [sflag:$0x3] =	stream.indirect_vreg.gather [hbm4b:s3+s2], $0x80, v3, vm0, $0xb8;
	[tilespmem:$0x16800] =	vst v63  }
0x160: {  	_ = 	snop  }
0x161: {  	[tilespmem:s15], [sflag:$0x3] =	stream.indirect_vreg.gather [hbm4b:s5+s2], $0x80, v3, vm0, $0xb8;
	[tilespmem:$0x16800] =	vst v63  }
0x162: {  	_ =	swait.ge [sflag:s31], $0x5000  }
0x163: {  	[sflag:s31] =	ssyncset.done $0x0  }
0x164: {  	s12 =	sadd.s32 $0x1E00, s12;
	[sflag:s31] =	ssyncadd.s32 $0xFFFFB000  }
0x165: {  	[hbm4b:s12+s2] =	stream.linear.scatter [tilespmem:s16], [sflag:$0x8], $0x5000, $0x38;
	[tilespmem:$0x16800] =	vst v63  }
0x166: {  	_ =	swait.ge [sflag:s6], $0x5000  }
0x167: {  	[sflag:s6] =	ssyncset.done $0x0  }
0x168: {  	[sflag:s6] =	ssyncadd.s32 $0xFFFFB000  }
0x169: {  	v3 =	vld [tilespmem:s8+$0xFFFFFFE0];
	_ =	sdelay $0x4  }
0x16a: {  	v61 =	vshll.u32 v3, $0x2  }
0x16b: {  	v3 =	vand.u32 $0x7, v3;
	v4 =	vand.u32 $0xFFFFFFE0, v61  }
0x16c: {  	v3 =	vor.u32 v3, v4  }
0x16d: {  	v4 =	vperm.xlane v3, v0;
	_ =	sdelay $0x1  }
0x16e: {  	v4 =	vadd.s32 v1, v4;
	_ =	sdelay $0x1  }
0x16f: {  	v3 =	vperm.xlane v3, v2;
	_ =	sdelay $0x1  }
0x170: {  	v3 =	vadd.s32 v1, v3  }
0x171: {  	[tilespmem:s16], [sflag:$0x4] =	stream.indirect_vreg.gather [hbm4b:s3+s2], $0x80, v4, vm0, $0xb8;
	[tilespmem:$0x16800] =	vst v63  }
0x172: {  	_ = 	snop  }
0x173: {  	[tilespmem:s17], [sflag:$0x4] =	stream.indirect_vreg.gather [hbm4b:s5+s2], $0x80, v4, vm0, $0xb8;
	[tilespmem:$0x16800] =	vst v63  }
0x174: {  	_ = 	snop  }
0x175: {  	[tilespmem:s18], [sflag:$0x4] =	stream.indirect_vreg.gather [hbm4b:s3+s2], $0x80, v3, vm0, $0xb8;
	[tilespmem:$0x16800] =	vst v63  }
0x176: {  	_ = 	snop  }
0x177: {  	[tilespmem:s19], [sflag:$0x4] =	stream.indirect_vreg.gather [hbm4b:s5+s2], $0x80, v3, vm0, $0xb8;
	[tilespmem:$0x16800] =	vst v63  }
0x178: {  	v3 =	vld [tilespmem:s8+$0xFFFFFFF0];
	_ =	sdelay $0x4  }
0x179: {  	v62 =	vshll.u32 v3, $0x2  }
0x17a: {  	v3 =	vand.u32 $0x7, v3;
	v4 =	vand.u32 $0xFFFFFFE0, v62  }
0x17b: {  	v3 =	vor.u32 v3, v4  }
0x17c: {  	v4 =	vperm.xlane v3, v0;
	_ =	sdelay $0x1  }
0x17d: {  	v4 =	vadd.s32 v1, v4;
	_ =	sdelay $0x1  }
0x17e: {  	v3 =	vperm.xlane v3, v2;
	_ =	sdelay $0x1  }
0x17f: {  	v3 =	vadd.s32 v1, v3  }
0x180: {  	[tilespmem:s20], [sflag:$0x4] =	stream.indirect_vreg.gather [hbm4b:s3+s2], $0x80, v4, vm0, $0xb8;
	[tilespmem:$0x16800] =	vst v63  }
0x181: {  	_ = 	snop  }
0x182: {  	[tilespmem:s22], [sflag:$0x4] =	stream.indirect_vreg.gather [hbm4b:s5+s2], $0x80, v4, vm0, $0xb8;
	[tilespmem:$0x16800] =	vst v63  }
0x183: {  	_ = 	snop  }
0x184: {  	[tilespmem:s23], [sflag:$0x4] =	stream.indirect_vreg.gather [hbm4b:s3+s2], $0x80, v3, vm0, $0xb8;
	[tilespmem:$0x16800] =	vst v63  }
0x185: {  	_ = 	snop  }
0x186: {  	[tilespmem:s24], [sflag:$0x4] =	stream.indirect_vreg.gather [hbm4b:s5+s2], $0x80, v3, vm0, $0xb8;
	[tilespmem:$0x16800] =	vst v63  }
0x187: {  	v3 =	vld.msk [tilespmem:s8+$0x0], $0xff;
	_ =	sdelay $0x4  }
0x188: {  	v63 =	vshll.u32 v3, $0x2  }
0x189: {  	v3 =	vand.u32 $0x7, v3;
	v4 =	vand.u32 $0xFFFFFFE0, v63  }
0x18a: {  	v3 =	vor.u32 v3, v4  }
0x18b: {  	v3 =	vperm.xlane v3, v0;
	_ =	sdelay $0x1  }
0x18c: {  	v3 =	vadd.s32 v1, v3;
	_ =	sdelay $0x2  }
.Ltmp5:
0x18d: {  	_ = 	snop;
	(pc) =	sbr.rel .LBB2_2-.Ltmp5, $4  }
0x18e: {  	_ = 	snop  }
0x18f: {  	[tilespmem:s25], [sflag:$0x4] =	stream.indirect_vreg.gather [hbm4b:s3+s2], $0x80, v3, vm0, $0xb8;
	[tilespmem:$0x16800] =	vst v63  }
0x190: {  	s10 =	sadd.s32 $0x2800, s10;
	s8 =	sadd.s32 $0xA0, s8  }
0x191: {  	[tilespmem:s26], [sflag:$0x4] =	stream.indirect_vreg.gather [hbm4b:s5+s2], $0x80, v3, vm0, $0xb8;
	[tilespmem:$0x16800] =	vst v63  }
.LBB2_8:
0x192: {  	_ =	sfence.sel $0x180000  }
0x193: {  	[bflag:$0x0] =	sbarrier.arrive $0xFFFF  }
0x194: {  	_ =	strace $0x90000047  }
0x195: {  	s0 =	stileid.u32;
	[bflag:$0x2] =	sbarrier.arrive $0xFFFF  }
0x196: {  	p0 =	sne.s32 s0, $0x0;
	s0 =	rddreg [dreg:$0x2]  }
0x197: {  	s0 =	sadd.s32 @!p0 $0x100000, s0  }
0x198: {  	[sflag:s0] =	ssyncadd.tile.s32 @!p0 $0x1;
	_ =	shalt  }
.Lfunc_end2:
_tile_overlayer_lowered:
.L_overlay_start_2:
0x199: {  	(tag) =	ssettag $0x2  }
0x19a: {  	s0 =	rddreg [dreg:$0x0];
	s2 =	stileid.u32  }
0x19b: {  	s1 =	rddreg [dreg:$0x1];
	p0 =	sne.s32 s2, $0x0  }
0x19c: {  	s3 =	rddreg [dreg:$0x2];
	[bflag:$0x3] =	sbarrier.arrive $0xFFFF;
	s2 =	simm.s32 @!p0 $0x1C09  }
0x19d: {  	[timem:s3], [sflag:s2] =	dma.local @!p0 [hbm:s0], s1  }
0x19e: {  	s0 =	simm.s32 @!p0 $0x9  }
0x19f: {  	_ =	swait.ge @!p0 [sflag:s0], s1  }
0x1a0: {  	s1 =	ssub.s32 @!p0 $0x0, s1;
	[sflag:s0] =	ssyncset.done @!p0 $0x0  }
0x1a1: {  	[sflag:s0] =	ssyncadd.s32 @!p0 s1  }
0x1a2: {  	[bflag:$0x3] =	sbarrier.arrive $0xFFFF  }
0x1a3: {  	_ =	shalt  }

</sc_bundles>
